<compile_context>
chip_gen: v7x
topology: tpu7x:2x2x1
jax: 0.10.2.dev20260603
libtpu: 0.0.44.dev20260713+nightly
codegen_flags: <defaults>
</compile_context>

<pallas_src>
import functools

import jax
import jax.numpy as jnp
from jax import lax
from jax.experimental import pallas as pl
from jax.experimental.pallas import tpu as pltpu
from jax.experimental.pallas import tpu_sc as plsc

NC = 2
NS = 16
NW = NC * NS

NBUF = 4
LOOKAHEAD = 3


@jax.jit
def kernel(token_ids, embedding_table):
    n_rows, row_len = token_ids.shape
    d = embedding_table.shape[1]
    ids = token_ids.astype(jnp.int32)
    assert n_rows % (NW * NBUF) == 0 and row_len % 8 == 0
    rows_per_w = n_rows // NW
    n_chunks = rows_per_w

    mesh = plsc.VectorSubcoreMesh(core_axis_name="c", subcore_axis_name="s")

    @functools.partial(
        pl.kernel,
        mesh=mesh,
        out_type=jax.ShapeDtypeStruct((n_rows, row_len, 128), jnp.float32),
        scratch_types=[
            pltpu.VMEM((rows_per_w, row_len), jnp.int32),
            pltpu.VMEM((NBUF, row_len, d), jnp.float32),
            pltpu.SemaphoreType.DMA((NBUF,)),
            pltpu.SemaphoreType.DMA((NBUF,)),
        ],
        compiler_params=pltpu.CompilerParams(use_tc_tiling_on_sc=False),
    )
    def emb(table_hbm, idx_hbm, out_hbm, idx_v, rows_v, gsem, osem):
        wid = lax.axis_index("s") * NC + lax.axis_index("c")
        base = wid * rows_per_w
        pltpu.sync_copy(idx_hbm.at[pl.ds(base, rows_per_w), :], idx_v)

        def g_ref(c):
            return table_hbm.at[idx_v.at[c]]

        def o_ref(c):
            return out_hbm.at[base + c, :, pl.ds(0, d)]

        def gather_start(c, bf):
            pltpu.async_copy(g_ref(c), rows_v.at[bf], gsem.at[bf])

        def gather_wait(c, bf):
            pltpu.make_async_copy(g_ref(c), rows_v.at[bf], gsem.at[bf]).wait()

        def out_start(c, bf):
            pltpu.async_copy(rows_v.at[bf], o_ref(c), osem.at[bf])

        def out_wait(c, bf):
            pltpu.make_async_copy(rows_v.at[bf], o_ref(c), osem.at[bf]).wait()

        for j in range(LOOKAHEAD):
            gather_start(j, j)

        gather_wait(0, 0)
        out_start(0, 0)
        gather_start(LOOKAHEAD, LOOKAHEAD % NBUF)
        for bf in range(1, NBUF):
            c = bf
            gather_wait(c, bf)
            out_start(c, bf)
            nf = (bf + LOOKAHEAD) % NBUF
            out_wait(c - 1, nf)
            gather_start(c + LOOKAHEAD, nf)

        @pl.loop(1, n_chunks // NBUF - 1)
        def _steady(i):
            c0 = i * NBUF
            for bf in range(NBUF):
                c = c0 + bf
                gather_wait(c, bf)
                out_start(c, bf)
                nf = (bf + LOOKAHEAD) % NBUF
                out_wait(c - 1, nf)
                gather_start(c + LOOKAHEAD, nf)

        c0 = n_chunks - NBUF
        gather_wait(c0, 0)
        out_start(c0, 0)
        out_wait(c0 - 1, LOOKAHEAD % NBUF)
        gather_start(c0 + LOOKAHEAD, LOOKAHEAD % NBUF)
        for bf in range(1, NBUF):
            c = c0 + bf
            gather_wait(c, bf)
            out_start(c, bf)
        for bf in range(NBUF):
            out_wait(c0 + bf, bf)

    out = emb(embedding_table, ids)
    return out[:, :, :d]

# --- scband reference (transcript-rebuilt; emitter-appended) ---
"""Pipeline reference for scband-token-embedding-40003325395410 (READ-ONLY COPY).

The authoritative reference and input builder live on the scoring server;
editing this copy changes nothing except your own understanding.
"""

import jax, jax.numpy as jnp
import numpy as np

VOCAB_SIZE = 1000000
D_MODEL = 64

def setup_inputs(seed: int = 0) -> dict:
    key = jax.random.key(seed)
    k1, k2 = jax.random.split(key)
    token_ids = jax.random.randint(k1, (4096, 200), 0, VOCAB_SIZE, dtype=jnp.int64)
    # nn.Embedding default init: N(0, 1)
    embedding_table = jax.random.normal(k2, (VOCAB_SIZE, D_MODEL), dtype=jnp.float32)
    return {"token_ids": token_ids, "embedding_table": embedding_table}

def reference(token_ids, embedding_table):
    # Faithful translation of TokenEmbedding.forward: a gather from the shared table.
    token_embeddings = jnp.take(embedding_table, token_ids, axis=0)
    return token_embeddings

if __name__ == "__main__":
    import jax
    _d = setup_inputs()
    print(jax.jit(kernel)(*tuple(_d.values())))

</pallas_src>

<mosaic_0001>
#map = affine_map<(d0, d1) -> (0, 0)>
#map1 = affine_map<(d0, d1) -> (0, 0, 0)>
module attributes {stable_mosaic.version = 14 : i64} {
  func.func @emb(%arg0: i32, %arg1: i32, %arg2: memref<1000000x64xf32, #tpu.memory_space<hbm>>, %arg3: memref<4096x200xi32, #tpu.memory_space<hbm>>, %arg4: memref<4096x200x128xf32, #tpu.memory_space<hbm>>, %arg5: memref<128x200xi32, #tpu.memory_space<vmem>>, %arg6: memref<4x200x64xf32, #tpu.memory_space<vmem>>, %arg7: memref<4x!tpu.dma_semaphore, #tpu.memory_space<semaphore_mem>>, %arg8: memref<4x!tpu.dma_semaphore, #tpu.memory_space<semaphore_mem>>) attributes {dimension_semantics = [#tpu.dimension_semantics<core_parallel>, #tpu.dimension_semantics<subcore_parallel>], iteration_bounds = array<i64: 2, 16>, scalar_prefetch = 0 : i64, scratch_operands = 4 : i64, tpu.core_type = #tpu.core_type<sc_vector_subcore>, window_params = [{transform_indices = #map}, {transform_indices = #map}, {transform_indices = #map1}]} {
    %mul3A = arith.constant 2 : i32
    %mul3A_0 = arith.muli %arg1, %mul3A : i32
    %add3A = arith.addi %mul3A_0, %arg0 : i32
    %mul3A_1 = arith.constant 128 : i32
    %mul3A_2 = arith.muli %add3A, %mul3A_1 : i32
    "tpu.region"() ({
      %run_scoped3A = tpu.sem_alloc : memref<!tpu.dma_semaphore, #tpu.memory_space<semaphore_mem>>
      %dma_start3A_597 = arith.constant 0 : i32
      %dma_start3A_598 = tpu.memref_slice %arg3[%mul3A_2, %dma_start3A_597] : memref<4096x200xi32, #tpu.memory_space<hbm>> -> memref<128x200xi32, #tpu.memory_space<hbm>>
      %dma_start3A_599 = arith.constant 0 : i32
      %dma_start3A_600 = tpu.memref_slice %arg3[%mul3A_2, %dma_start3A_599] : memref<4096x200xi32, #tpu.memory_space<hbm>> -> memref<128x200xi32, #tpu.memory_space<hbm>>
      tpu.enqueue_dma source(%dma_start3A_600 : memref<128x200xi32, #tpu.memory_space<hbm>>) target(%arg5 : memref<128x200xi32, #tpu.memory_space<vmem>>) target_semaphore(%run_scoped3A : memref<!tpu.dma_semaphore, #tpu.memory_space<semaphore_mem>>)
      %dma_wait3A_601 = arith.constant 0 : i32
      %dma_wait3A_602 = tpu.memref_slice %arg3[%mul3A_2, %dma_wait3A_601] : memref<4096x200xi32, #tpu.memory_space<hbm>> -> memref<128x200xi32, #tpu.memory_space<hbm>>
      %dma_wait3A_603 = arith.constant 0 : i32
      %dma_wait3A_604 = tpu.memref_slice %arg3[%mul3A_2, %dma_wait3A_603] : memref<4096x200xi32, #tpu.memory_space<hbm>> -> memref<128x200xi32, #tpu.memory_space<hbm>>
      tpu.wait_dma2 semaphore(%run_scoped3A : memref<!tpu.dma_semaphore, #tpu.memory_space<semaphore_mem>>) src(%dma_wait3A_604 : memref<128x200xi32, #tpu.memory_space<hbm>>) dst(%arg5 : memref<128x200xi32, #tpu.memory_space<vmem>>)
      tpu.yield
    }) : () -> ()
    %dma_start3A = arith.constant 0 : i32
    %dma_start3A_3 = arith.constant 0 : i32
    %dma_start3A_4 = arith.constant 0 : i32
    %dma_start3A_5 = arith.constant 0 : i32
    %dma_start3A_6 = arith.constant 0 : i32
    %dma_start3A_7 = tpu.memref_slice %arg6[%dma_start3A_3, %dma_start3A_5, %dma_start3A_6] : memref<4x200x64xf32, #tpu.memory_space<vmem>> -> memref<1x200x64xf32, #tpu.memory_space<vmem>>
    %dma_start3A_8 = tpu.memref_squeeze %dma_start3A_7 : memref<1x200x64xf32, #tpu.memory_space<vmem>> -> memref<200x64xf32, #tpu.memory_space<vmem>>
    %dma_start3A_9 = arith.constant 0 : i32
    %dma_start3A_10 = tpu.memref_slice %arg5[%dma_start3A, %dma_start3A_9] : memref<128x200xi32, #tpu.memory_space<vmem>> -> memref<1x200xi32, #tpu.memory_space<vmem>>
    %dma_start3A_11 = tpu.memref_squeeze %dma_start3A_10 : memref<1x200xi32, #tpu.memory_space<vmem>> -> memref<200xi32, #tpu.memory_space<vmem>>
    %dma_start3A_12 = arith.constant 0 : i32
    %dma_start3A_13 = arith.constant 0 : i32
    %dma_start3A_14 = tpu.memref_slice %arg2[%dma_start3A_12, %dma_start3A_13] : memref<1000000x64xf32, #tpu.memory_space<hbm>> -> memref<1000000x64xf32, #tpu.memory_space<hbm>>
    %dma_start3A_15 = tpu.memref_slice %arg7[%dma_start3A_4] : memref<4x!tpu.dma_semaphore, #tpu.memory_space<semaphore_mem>> -> memref<1x!tpu.dma_semaphore, #tpu.memory_space<semaphore_mem>>
    %dma_start3A_16 = tpu.memref_squeeze %dma_start3A_15 : memref<1x!tpu.dma_semaphore, #tpu.memory_space<semaphore_mem>> -> memref<!tpu.dma_semaphore, #tpu.memory_space<semaphore_mem>>
    tpu.enqueue_indirect_dma source(%dma_start3A_14 : memref<1000000x64xf32, #tpu.memory_space<hbm>>) target(%dma_start3A_8 : memref<200x64xf32, #tpu.memory_space<vmem>>) offsets(%dma_start3A_11 : memref<200xi32, #tpu.memory_space<vmem>>) semaphore(%dma_start3A_16 : memref<!tpu.dma_semaphore, #tpu.memory_space<semaphore_mem>>)
    %dma_start3A_17 = arith.constant 1 : i32
    %dma_start3A_18 = arith.constant 1 : i32
    %dma_start3A_19 = arith.constant 1 : i32
    %dma_start3A_20 = arith.constant 0 : i32
    %dma_start3A_21 = arith.constant 0 : i32
    %dma_start3A_22 = tpu.memref_slice %arg6[%dma_start3A_18, %dma_start3A_20, %dma_start3A_21] : memref<4x200x64xf32, #tpu.memory_space<vmem>> -> memref<1x200x64xf32, #tpu.memory_space<vmem>>
    %dma_start3A_23 = tpu.memref_squeeze %dma_start3A_22 : memref<1x200x64xf32, #tpu.memory_space<vmem>> -> memref<200x64xf32, #tpu.memory_space<vmem>>
    %dma_start3A_24 = arith.constant 0 : i32
    %dma_start3A_25 = tpu.memref_slice %arg5[%dma_start3A_17, %dma_start3A_24] : memref<128x200xi32, #tpu.memory_space<vmem>> -> memref<1x200xi32, #tpu.memory_space<vmem>>
    %dma_start3A_26 = tpu.memref_squeeze %dma_start3A_25 : memref<1x200xi32, #tpu.memory_space<vmem>> -> memref<200xi32, #tpu.memory_space<vmem>>
    %dma_start3A_27 = arith.constant 0 : i32
    %dma_start3A_28 = arith.constant 0 : i32
    %dma_start3A_29 = tpu.memref_slice %arg2[%dma_start3A_27, %dma_start3A_28] : memref<1000000x64xf32, #tpu.memory_space<hbm>> -> memref<1000000x64xf32, #tpu.memory_space<hbm>>
    %dma_start3A_30 = tpu.memref_slice %arg7[%dma_start3A_19] : memref<4x!tpu.dma_semaphore, #tpu.memory_space<semaphore_mem>> -> memref<1x!tpu.dma_semaphore, #tpu.memory_space<semaphore_mem>>
    %dma_start3A_31 = tpu.memref_squeeze %dma_start3A_30 : memref<1x!tpu.dma_semaphore, #tpu.memory_space<semaphore_mem>> -> memref<!tpu.dma_semaphore, #tpu.memory_space<semaphore_mem>>
    tpu.enqueue_indirect_dma source(%dma_start3A_29 : memref<1000000x64xf32, #tpu.memory_space<hbm>>) target(%dma_start3A_23 : memref<200x64xf32, #tpu.memory_space<vmem>>) offsets(%dma_start3A_26 : memref<200xi32, #tpu.memory_space<vmem>>) semaphore(%dma_start3A_31 : memref<!tpu.dma_semaphore, #tpu.memory_space<semaphore_mem>>)
    %dma_start3A_32 = arith.constant 2 : i32
    %dma_start3A_33 = arith.constant 2 : i32
    %dma_start3A_34 = arith.constant 2 : i32
    %dma_start3A_35 = arith.constant 0 : i32
    %dma_start3A_36 = arith.constant 0 : i32
    %dma_start3A_37 = tpu.memref_slice %arg6[%dma_start3A_33, %dma_start3A_35, %dma_start3A_36] : memref<4x200x64xf32, #tpu.memory_space<vmem>> -> memref<1x200x64xf32, #tpu.memory_space<vmem>>
    %dma_start3A_38 = tpu.memref_squeeze %dma_start3A_37 : memref<1x200x64xf32, #tpu.memory_space<vmem>> -> memref<200x64xf32, #tpu.memory_space<vmem>>
    %dma_start3A_39 = arith.constant 0 : i32
    %dma_start3A_40 = tpu.memref_slice %arg5[%dma_start3A_32, %dma_start3A_39] : memref<128x200xi32, #tpu.memory_space<vmem>> -> memref<1x200xi32, #tpu.memory_space<vmem>>
    %dma_start3A_41 = tpu.memref_squeeze %dma_start3A_40 : memref<1x200xi32, #tpu.memory_space<vmem>> -> memref<200xi32, #tpu.memory_space<vmem>>
    %dma_start3A_42 = arith.constant 0 : i32
    %dma_start3A_43 = arith.constant 0 : i32
    %dma_start3A_44 = tpu.memref_slice %arg2[%dma_start3A_42, %dma_start3A_43] : memref<1000000x64xf32, #tpu.memory_space<hbm>> -> memref<1000000x64xf32, #tpu.memory_space<hbm>>
    %dma_start3A_45 = tpu.memref_slice %arg7[%dma_start3A_34] : memref<4x!tpu.dma_semaphore, #tpu.memory_space<semaphore_mem>> -> memref<1x!tpu.dma_semaphore, #tpu.memory_space<semaphore_mem>>
    %dma_start3A_46 = tpu.memref_squeeze %dma_start3A_45 : memref<1x!tpu.dma_semaphore, #tpu.memory_space<semaphore_mem>> -> memref<!tpu.dma_semaphore, #tpu.memory_space<semaphore_mem>>
    tpu.enqueue_indirect_dma source(%dma_start3A_44 : memref<1000000x64xf32, #tpu.memory_space<hbm>>) target(%dma_start3A_38 : memref<200x64xf32, #tpu.memory_space<vmem>>) offsets(%dma_start3A_41 : memref<200xi32, #tpu.memory_space<vmem>>) semaphore(%dma_start3A_46 : memref<!tpu.dma_semaphore, #tpu.memory_space<semaphore_mem>>)
    %dma_wait3A = arith.constant 0 : i32
    %dma_wait3A_47 = arith.constant 0 : i32
    %dma_wait3A_48 = arith.constant 0 : i32
    %dma_wait3A_49 = arith.constant 0 : i32
    %dma_wait3A_50 = arith.constant 0 : i32
    %dma_wait3A_51 = tpu.memref_slice %arg6[%dma_wait3A_47, %dma_wait3A_49, %dma_wait3A_50] : memref<4x200x64xf32, #tpu.memory_space<vmem>> -> memref<1x200x64xf32, #tpu.memory_space<vmem>>
    %dma_wait3A_52 = tpu.memref_squeeze %dma_wait3A_51 : memref<1x200x64xf32, #tpu.memory_space<vmem>> -> memref<200x64xf32, #tpu.memory_space<vmem>>
    %dma_wait3A_53 = arith.constant 0 : i32
    %dma_wait3A_54 = tpu.memref_slice %arg5[%dma_wait3A, %dma_wait3A_53] : memref<128x200xi32, #tpu.memory_space<vmem>> -> memref<1x200xi32, #tpu.memory_space<vmem>>
    %dma_wait3A_55 = tpu.memref_squeeze %dma_wait3A_54 : memref<1x200xi32, #tpu.memory_space<vmem>> -> memref<200xi32, #tpu.memory_space<vmem>>
    %dma_wait3A_56 = arith.constant 0 : i32
    %dma_wait3A_57 = arith.constant 0 : i32
    %dma_wait3A_58 = tpu.memref_slice %arg2[%dma_wait3A_56, %dma_wait3A_57] : memref<1000000x64xf32, #tpu.memory_space<hbm>> -> memref<1000000x64xf32, #tpu.memory_space<hbm>>
    %dma_wait3A_59 = tpu.memref_slice %arg7[%dma_wait3A_48] : memref<4x!tpu.dma_semaphore, #tpu.memory_space<semaphore_mem>> -> memref<1x!tpu.dma_semaphore, #tpu.memory_space<semaphore_mem>>
    %dma_wait3A_60 = tpu.memref_squeeze %dma_wait3A_59 : memref<1x!tpu.dma_semaphore, #tpu.memory_space<semaphore_mem>> -> memref<!tpu.dma_semaphore, #tpu.memory_space<semaphore_mem>>
    tpu.wait_indirect_dma semaphore(%dma_wait3A_60 : memref<!tpu.dma_semaphore, #tpu.memory_space<semaphore_mem>>) src(%dma_wait3A_58 : memref<1000000x64xf32, #tpu.memory_space<hbm>>) dst(%dma_wait3A_52 : memref<200x64xf32, #tpu.memory_space<vmem>>)
    %add3A_61 = arith.constant 0 : i32
    %add3A_62 = arith.addi %mul3A_2, %add3A_61 : i32
    %dma_start3A_63 = arith.constant 0 : i32
    %dma_start3A_64 = arith.constant 0 : i32
    %dma_start3A_65 = arith.constant 0 : i32
    %dma_start3A_66 = arith.constant 0 : i32
    %dma_start3A_67 = tpu.memref_slice %arg6[%dma_start3A_63, %dma_start3A_65, %dma_start3A_66] : memref<4x200x64xf32, #tpu.memory_space<vmem>> -> memref<1x200x64xf32, #tpu.memory_space<vmem>>
    %dma_start3A_68 = tpu.memref_squeeze %dma_start3A_67 : memref<1x200x64xf32, #tpu.memory_space<vmem>> -> memref<200x64xf32, #tpu.memory_space<vmem>>
    %dma_start3A_69 = arith.constant 0 : i32
    %dma_start3A_70 = arith.constant 0 : i32
    %dma_start3A_71 = tpu.memref_slice %arg4[%add3A_62, %dma_start3A_69, %dma_start3A_70] : memref<4096x200x128xf32, #tpu.memory_space<hbm>> -> memref<1x200x64xf32, #tpu.memory_space<hbm>>
    %dma_start3A_72 = tpu.memref_squeeze %dma_start3A_71 : memref<1x200x64xf32, #tpu.memory_space<hbm>> -> memref<200x64xf32, #tpu.memory_space<hbm>>
    %dma_start3A_73 = tpu.memref_slice %arg8[%dma_start3A_64] : memref<4x!tpu.dma_semaphore, #tpu.memory_space<semaphore_mem>> -> memref<1x!tpu.dma_semaphore, #tpu.memory_space<semaphore_mem>>
    %dma_start3A_74 = tpu.memref_squeeze %dma_start3A_73 : memref<1x!tpu.dma_semaphore, #tpu.memory_space<semaphore_mem>> -> memref<!tpu.dma_semaphore, #tpu.memory_space<semaphore_mem>>
    %dma_start3A_75 = arith.constant 0 : i32
    %dma_start3A_76 = arith.constant 0 : i32
    %dma_start3A_77 = tpu.memref_slice %arg4[%add3A_62, %dma_start3A_75, %dma_start3A_76] : memref<4096x200x128xf32, #tpu.memory_space<hbm>> -> memref<1x200x64xf32, #tpu.memory_space<hbm>>
    %dma_start3A_78 = tpu.memref_squeeze %dma_start3A_77 : memref<1x200x64xf32, #tpu.memory_space<hbm>> -> memref<200x64xf32, #tpu.memory_space<hbm>>
    %dma_start3A_79 = arith.constant 0 : i32
    %dma_start3A_80 = arith.constant 0 : i32
    %dma_start3A_81 = tpu.memref_slice %arg6[%dma_start3A_63, %dma_start3A_79, %dma_start3A_80] : memref<4x200x64xf32, #tpu.memory_space<vmem>> -> memref<1x200x64xf32, #tpu.memory_space<vmem>>
    %dma_start3A_82 = tpu.memref_squeeze %dma_start3A_81 : memref<1x200x64xf32, #tpu.memory_space<vmem>> -> memref<200x64xf32, #tpu.memory_space<vmem>>
    tpu.enqueue_dma source(%dma_start3A_82 : memref<200x64xf32, #tpu.memory_space<vmem>>) target(%dma_start3A_78 : memref<200x64xf32, #tpu.memory_space<hbm>>) target_semaphore(%dma_start3A_74 : memref<!tpu.dma_semaphore, #tpu.memory_space<semaphore_mem>>)
    %dma_start3A_83 = arith.constant 3 : i32
    %dma_start3A_84 = arith.constant 3 : i32
    %dma_start3A_85 = arith.constant 3 : i32
    %dma_start3A_86 = arith.constant 0 : i32
    %dma_start3A_87 = arith.constant 0 : i32
    %dma_start3A_88 = tpu.memref_slice %arg6[%dma_start3A_84, %dma_start3A_86, %dma_start3A_87] : memref<4x200x64xf32, #tpu.memory_space<vmem>> -> memref<1x200x64xf32, #tpu.memory_space<vmem>>
    %dma_start3A_89 = tpu.memref_squeeze %dma_start3A_88 : memref<1x200x64xf32, #tpu.memory_space<vmem>> -> memref<200x64xf32, #tpu.memory_space<vmem>>
    %dma_start3A_90 = arith.constant 0 : i32
    %dma_start3A_91 = tpu.memref_slice %arg5[%dma_start3A_83, %dma_start3A_90] : memref<128x200xi32, #tpu.memory_space<vmem>> -> memref<1x200xi32, #tpu.memory_space<vmem>>
    %dma_start3A_92 = tpu.memref_squeeze %dma_start3A_91 : memref<1x200xi32, #tpu.memory_space<vmem>> -> memref<200xi32, #tpu.memory_space<vmem>>
    %dma_start3A_93 = arith.constant 0 : i32
    %dma_start3A_94 = arith.constant 0 : i32
    %dma_start3A_95 = tpu.memref_slice %arg2[%dma_start3A_93, %dma_start3A_94] : memref<1000000x64xf32, #tpu.memory_space<hbm>> -> memref<1000000x64xf32, #tpu.memory_space<hbm>>
    %dma_start3A_96 = tpu.memref_slice %arg7[%dma_start3A_85] : memref<4x!tpu.dma_semaphore, #tpu.memory_space<semaphore_mem>> -> memref<1x!tpu.dma_semaphore, #tpu.memory_space<semaphore_mem>>
    %dma_start3A_97 = tpu.memref_squeeze %dma_start3A_96 : memref<1x!tpu.dma_semaphore, #tpu.memory_space<semaphore_mem>> -> memref<!tpu.dma_semaphore, #tpu.memory_space<semaphore_mem>>
    tpu.enqueue_indirect_dma source(%dma_start3A_95 : memref<1000000x64xf32, #tpu.memory_space<hbm>>) target(%dma_start3A_89 : memref<200x64xf32, #tpu.memory_space<vmem>>) offsets(%dma_start3A_92 : memref<200xi32, #tpu.memory_space<vmem>>) semaphore(%dma_start3A_97 : memref<!tpu.dma_semaphore, #tpu.memory_space<semaphore_mem>>)
    %dma_wait3A_98 = arith.constant 1 : i32
    %dma_wait3A_99 = arith.constant 1 : i32
    %dma_wait3A_100 = arith.constant 1 : i32
    %dma_wait3A_101 = arith.constant 0 : i32
    %dma_wait3A_102 = arith.constant 0 : i32
    %dma_wait3A_103 = tpu.memref_slice %arg6[%dma_wait3A_99, %dma_wait3A_101, %dma_wait3A_102] : memref<4x200x64xf32, #tpu.memory_space<vmem>> -> memref<1x200x64xf32, #tpu.memory_space<vmem>>
    %dma_wait3A_104 = tpu.memref_squeeze %dma_wait3A_103 : memref<1x200x64xf32, #tpu.memory_space<vmem>> -> memref<200x64xf32, #tpu.memory_space<vmem>>
    %dma_wait3A_105 = arith.constant 0 : i32
    %dma_wait3A_106 = tpu.memref_slice %arg5[%dma_wait3A_98, %dma_wait3A_105] : memref<128x200xi32, #tpu.memory_space<vmem>> -> memref<1x200xi32, #tpu.memory_space<vmem>>
    %dma_wait3A_107 = tpu.memref_squeeze %dma_wait3A_106 : memref<1x200xi32, #tpu.memory_space<vmem>> -> memref<200xi32, #tpu.memory_space<vmem>>
    %dma_wait3A_108 = arith.constant 0 : i32
    %dma_wait3A_109 = arith.constant 0 : i32
    %dma_wait3A_110 = tpu.memref_slice %arg2[%dma_wait3A_108, %dma_wait3A_109] : memref<1000000x64xf32, #tpu.memory_space<hbm>> -> memref<1000000x64xf32, #tpu.memory_space<hbm>>
    %dma_wait3A_111 = tpu.memref_slice %arg7[%dma_wait3A_100] : memref<4x!tpu.dma_semaphore, #tpu.memory_space<semaphore_mem>> -> memref<1x!tpu.dma_semaphore, #tpu.memory_space<semaphore_mem>>
    %dma_wait3A_112 = tpu.memref_squeeze %dma_wait3A_111 : memref<1x!tpu.dma_semaphore, #tpu.memory_space<semaphore_mem>> -> memref<!tpu.dma_semaphore, #tpu.memory_space<semaphore_mem>>
    tpu.wait_indirect_dma semaphore(%dma_wait3A_112 : memref<!tpu.dma_semaphore, #tpu.memory_space<semaphore_mem>>) src(%dma_wait3A_110 : memref<1000000x64xf32, #tpu.memory_space<hbm>>) dst(%dma_wait3A_104 : memref<200x64xf32, #tpu.memory_space<vmem>>)
    %add3A_113 = arith.constant 1 : i32
    %add3A_114 = arith.addi %mul3A_2, %add3A_113 : i32
    %dma_start3A_115 = arith.constant 1 : i32
    %dma_start3A_116 = arith.constant 1 : i32
    %dma_start3A_117 = arith.constant 0 : i32
    %dma_start3A_118 = arith.constant 0 : i32
    %dma_start3A_119 = tpu.memref_slice %arg6[%dma_start3A_115, %dma_start3A_117, %dma_start3A_118] : memref<4x200x64xf32, #tpu.memory_space<vmem>> -> memref<1x200x64xf32, #tpu.memory_space<vmem>>
    %dma_start3A_120 = tpu.memref_squeeze %dma_start3A_119 : memref<1x200x64xf32, #tpu.memory_space<vmem>> -> memref<200x64xf32, #tpu.memory_space<vmem>>
    %dma_start3A_121 = arith.constant 0 : i32
    %dma_start3A_122 = arith.constant 0 : i32
    %dma_start3A_123 = tpu.memref_slice %arg4[%add3A_114, %dma_start3A_121, %dma_start3A_122] : memref<4096x200x128xf32, #tpu.memory_space<hbm>> -> memref<1x200x64xf32, #tpu.memory_space<hbm>>
    %dma_start3A_124 = tpu.memref_squeeze %dma_start3A_123 : memref<1x200x64xf32, #tpu.memory_space<hbm>> -> memref<200x64xf32, #tpu.memory_space<hbm>>
    %dma_start3A_125 = tpu.memref_slice %arg8[%dma_start3A_116] : memref<4x!tpu.dma_semaphore, #tpu.memory_space<semaphore_mem>> -> memref<1x!tpu.dma_semaphore, #tpu.memory_space<semaphore_mem>>
    %dma_start3A_126 = tpu.memref_squeeze %dma_start3A_125 : memref<1x!tpu.dma_semaphore, #tpu.memory_space<semaphore_mem>> -> memref<!tpu.dma_semaphore, #tpu.memory_space<semaphore_mem>>
    %dma_start3A_127 = arith.constant 0 : i32
    %dma_start3A_128 = arith.constant 0 : i32
    %dma_start3A_129 = tpu.memref_slice %arg4[%add3A_114, %dma_start3A_127, %dma_start3A_128] : memref<4096x200x128xf32, #tpu.memory_space<hbm>> -> memref<1x200x64xf32, #tpu.memory_space<hbm>>
    %dma_start3A_130 = tpu.memref_squeeze %dma_start3A_129 : memref<1x200x64xf32, #tpu.memory_space<hbm>> -> memref<200x64xf32, #tpu.memory_space<hbm>>
    %dma_start3A_131 = arith.constant 0 : i32
    %dma_start3A_132 = arith.constant 0 : i32
    %dma_start3A_133 = tpu.memref_slice %arg6[%dma_start3A_115, %dma_start3A_131, %dma_start3A_132] : memref<4x200x64xf32, #tpu.memory_space<vmem>> -> memref<1x200x64xf32, #tpu.memory_space<vmem>>
    %dma_start3A_134 = tpu.memref_squeeze %dma_start3A_133 : memref<1x200x64xf32, #tpu.memory_space<vmem>> -> memref<200x64xf32, #tpu.memory_space<vmem>>
    tpu.enqueue_dma source(%dma_start3A_134 : memref<200x64xf32, #tpu.memory_space<vmem>>) target(%dma_start3A_130 : memref<200x64xf32, #tpu.memory_space<hbm>>) target_semaphore(%dma_start3A_126 : memref<!tpu.dma_semaphore, #tpu.memory_space<semaphore_mem>>)
    %add3A_135 = arith.constant 0 : i32
    %add3A_136 = arith.addi %mul3A_2, %add3A_135 : i32
    %dma_wait3A_137 = arith.constant 0 : i32
    %dma_wait3A_138 = arith.constant 0 : i32
    %dma_wait3A_139 = arith.constant 0 : i32
    %dma_wait3A_140 = arith.constant 0 : i32
    %dma_wait3A_141 = tpu.memref_slice %arg6[%dma_wait3A_137, %dma_wait3A_139, %dma_wait3A_140] : memref<4x200x64xf32, #tpu.memory_space<vmem>> -> memref<1x200x64xf32, #tpu.memory_space<vmem>>
    %dma_wait3A_142 = tpu.memref_squeeze %dma_wait3A_141 : memref<1x200x64xf32, #tpu.memory_space<vmem>> -> memref<200x64xf32, #tpu.memory_space<vmem>>
    %dma_wait3A_143 = arith.constant 0 : i32
    %dma_wait3A_144 = arith.constant 0 : i32
    %dma_wait3A_145 = tpu.memref_slice %arg4[%add3A_136, %dma_wait3A_143, %dma_wait3A_144] : memref<4096x200x128xf32, #tpu.memory_space<hbm>> -> memref<1x200x64xf32, #tpu.memory_space<hbm>>
    %dma_wait3A_146 = tpu.memref_squeeze %dma_wait3A_145 : memref<1x200x64xf32, #tpu.memory_space<hbm>> -> memref<200x64xf32, #tpu.memory_space<hbm>>
    %dma_wait3A_147 = tpu.memref_slice %arg8[%dma_wait3A_138] : memref<4x!tpu.dma_semaphore, #tpu.memory_space<semaphore_mem>> -> memref<1x!tpu.dma_semaphore, #tpu.memory_space<semaphore_mem>>
    %dma_wait3A_148 = tpu.memref_squeeze %dma_wait3A_147 : memref<1x!tpu.dma_semaphore, #tpu.memory_space<semaphore_mem>> -> memref<!tpu.dma_semaphore, #tpu.memory_space<semaphore_mem>>
    %dma_wait3A_149 = arith.constant 0 : i32
    %dma_wait3A_150 = arith.constant 0 : i32
    %dma_wait3A_151 = tpu.memref_slice %arg4[%add3A_136, %dma_wait3A_149, %dma_wait3A_150] : memref<4096x200x128xf32, #tpu.memory_space<hbm>> -> memref<1x200x64xf32, #tpu.memory_space<hbm>>
    %dma_wait3A_152 = tpu.memref_squeeze %dma_wait3A_151 : memref<1x200x64xf32, #tpu.memory_space<hbm>> -> memref<200x64xf32, #tpu.memory_space<hbm>>
    %dma_wait3A_153 = arith.constant 0 : i32
    %dma_wait3A_154 = arith.constant 0 : i32
    %dma_wait3A_155 = tpu.memref_slice %arg6[%dma_wait3A_137, %dma_wait3A_153, %dma_wait3A_154] : memref<4x200x64xf32, #tpu.memory_space<vmem>> -> memref<1x200x64xf32, #tpu.memory_space<vmem>>
    %dma_wait3A_156 = tpu.memref_squeeze %dma_wait3A_155 : memref<1x200x64xf32, #tpu.memory_space<vmem>> -> memref<200x64xf32, #tpu.memory_space<vmem>>
    tpu.wait_dma2 semaphore(%dma_wait3A_148 : memref<!tpu.dma_semaphore, #tpu.memory_space<semaphore_mem>>) src(%dma_wait3A_156 : memref<200x64xf32, #tpu.memory_space<vmem>>) dst(%dma_wait3A_152 : memref<200x64xf32, #tpu.memory_space<hbm>>)
    %dma_start3A_157 = arith.constant 4 : i32
    %dma_start3A_158 = arith.constant 0 : i32
    %dma_start3A_159 = arith.constant 0 : i32
    %dma_start3A_160 = arith.constant 0 : i32
    %dma_start3A_161 = arith.constant 0 : i32
    %dma_start3A_162 = tpu.memref_slice %arg6[%dma_start3A_158, %dma_start3A_160, %dma_start3A_161] : memref<4x200x64xf32, #tpu.memory_space<vmem>> -> memref<1x200x64xf32, #tpu.memory_space<vmem>>
    %dma_start3A_163 = tpu.memref_squeeze %dma_start3A_162 : memref<1x200x64xf32, #tpu.memory_space<vmem>> -> memref<200x64xf32, #tpu.memory_space<vmem>>
    %dma_start3A_164 = arith.constant 0 : i32
    %dma_start3A_165 = tpu.memref_slice %arg5[%dma_start3A_157, %dma_start3A_164] : memref<128x200xi32, #tpu.memory_space<vmem>> -> memref<1x200xi32, #tpu.memory_space<vmem>>
    %dma_start3A_166 = tpu.memref_squeeze %dma_start3A_165 : memref<1x200xi32, #tpu.memory_space<vmem>> -> memref<200xi32, #tpu.memory_space<vmem>>
    %dma_start3A_167 = arith.constant 0 : i32
    %dma_start3A_168 = arith.constant 0 : i32
    %dma_start3A_169 = tpu.memref_slice %arg2[%dma_start3A_167, %dma_start3A_168] : memref<1000000x64xf32, #tpu.memory_space<hbm>> -> memref<1000000x64xf32, #tpu.memory_space<hbm>>
    %dma_start3A_170 = tpu.memref_slice %arg7[%dma_start3A_159] : memref<4x!tpu.dma_semaphore, #tpu.memory_space<semaphore_mem>> -> memref<1x!tpu.dma_semaphore, #tpu.memory_space<semaphore_mem>>
    %dma_start3A_171 = tpu.memref_squeeze %dma_start3A_170 : memref<1x!tpu.dma_semaphore, #tpu.memory_space<semaphore_mem>> -> memref<!tpu.dma_semaphore, #tpu.memory_space<semaphore_mem>>
    tpu.enqueue_indirect_dma source(%dma_start3A_169 : memref<1000000x64xf32, #tpu.memory_space<hbm>>) target(%dma_start3A_163 : memref<200x64xf32, #tpu.memory_space<vmem>>) offsets(%dma_start3A_166 : memref<200xi32, #tpu.memory_space<vmem>>) semaphore(%dma_start3A_171 : memref<!tpu.dma_semaphore, #tpu.memory_space<semaphore_mem>>)
    %dma_wait3A_172 = arith.constant 2 : i32
    %dma_wait3A_173 = arith.constant 2 : i32
    %dma_wait3A_174 = arith.constant 2 : i32
    %dma_wait3A_175 = arith.constant 0 : i32
    %dma_wait3A_176 = arith.constant 0 : i32
    %dma_wait3A_177 = tpu.memref_slice %arg6[%dma_wait3A_173, %dma_wait3A_175, %dma_wait3A_176] : memref<4x200x64xf32, #tpu.memory_space<vmem>> -> memref<1x200x64xf32, #tpu.memory_space<vmem>>
    %dma_wait3A_178 = tpu.memref_squeeze %dma_wait3A_177 : memref<1x200x64xf32, #tpu.memory_space<vmem>> -> memref<200x64xf32, #tpu.memory_space<vmem>>
    %dma_wait3A_179 = arith.constant 0 : i32
    %dma_wait3A_180 = tpu.memref_slice %arg5[%dma_wait3A_172, %dma_wait3A_179] : memref<128x200xi32, #tpu.memory_space<vmem>> -> memref<1x200xi32, #tpu.memory_space<vmem>>
    %dma_wait3A_181 = tpu.memref_squeeze %dma_wait3A_180 : memref<1x200xi32, #tpu.memory_space<vmem>> -> memref<200xi32, #tpu.memory_space<vmem>>
    %dma_wait3A_182 = arith.constant 0 : i32
    %dma_wait3A_183 = arith.constant 0 : i32
    %dma_wait3A_184 = tpu.memref_slice %arg2[%dma_wait3A_182, %dma_wait3A_183] : memref<1000000x64xf32, #tpu.memory_space<hbm>> -> memref<1000000x64xf32, #tpu.memory_space<hbm>>
    %dma_wait3A_185 = tpu.memref_slice %arg7[%dma_wait3A_174] : memref<4x!tpu.dma_semaphore, #tpu.memory_space<semaphore_mem>> -> memref<1x!tpu.dma_semaphore, #tpu.memory_space<semaphore_mem>>
    %dma_wait3A_186 = tpu.memref_squeeze %dma_wait3A_185 : memref<1x!tpu.dma_semaphore, #tpu.memory_space<semaphore_mem>> -> memref<!tpu.dma_semaphore, #tpu.memory_space<semaphore_mem>>
    tpu.wait_indirect_dma semaphore(%dma_wait3A_186 : memref<!tpu.dma_semaphore, #tpu.memory_space<semaphore_mem>>) src(%dma_wait3A_184 : memref<1000000x64xf32, #tpu.memory_space<hbm>>) dst(%dma_wait3A_178 : memref<200x64xf32, #tpu.memory_space<vmem>>)
    %add3A_187 = arith.constant 2 : i32
    %add3A_188 = arith.addi %mul3A_2, %add3A_187 : i32
    %dma_start3A_189 = arith.constant 2 : i32
    %dma_start3A_190 = arith.constant 2 : i32
    %dma_start3A_191 = arith.constant 0 : i32
    %dma_start3A_192 = arith.constant 0 : i32
    %dma_start3A_193 = tpu.memref_slice %arg6[%dma_start3A_189, %dma_start3A_191, %dma_start3A_192] : memref<4x200x64xf32, #tpu.memory_space<vmem>> -> memref<1x200x64xf32, #tpu.memory_space<vmem>>
    %dma_start3A_194 = tpu.memref_squeeze %dma_start3A_193 : memref<1x200x64xf32, #tpu.memory_space<vmem>> -> memref<200x64xf32, #tpu.memory_space<vmem>>
    %dma_start3A_195 = arith.constant 0 : i32
    %dma_start3A_196 = arith.constant 0 : i32
    %dma_start3A_197 = tpu.memref_slice %arg4[%add3A_188, %dma_start3A_195, %dma_start3A_196] : memref<4096x200x128xf32, #tpu.memory_space<hbm>> -> memref<1x200x64xf32, #tpu.memory_space<hbm>>
    %dma_start3A_198 = tpu.memref_squeeze %dma_start3A_197 : memref<1x200x64xf32, #tpu.memory_space<hbm>> -> memref<200x64xf32, #tpu.memory_space<hbm>>
    %dma_start3A_199 = tpu.memref_slice %arg8[%dma_start3A_190] : memref<4x!tpu.dma_semaphore, #tpu.memory_space<semaphore_mem>> -> memref<1x!tpu.dma_semaphore, #tpu.memory_space<semaphore_mem>>
    %dma_start3A_200 = tpu.memref_squeeze %dma_start3A_199 : memref<1x!tpu.dma_semaphore, #tpu.memory_space<semaphore_mem>> -> memref<!tpu.dma_semaphore, #tpu.memory_space<semaphore_mem>>
    %dma_start3A_201 = arith.constant 0 : i32
    %dma_start3A_202 = arith.constant 0 : i32
    %dma_start3A_203 = tpu.memref_slice %arg4[%add3A_188, %dma_start3A_201, %dma_start3A_202] : memref<4096x200x128xf32, #tpu.memory_space<hbm>> -> memref<1x200x64xf32, #tpu.memory_space<hbm>>
    %dma_start3A_204 = tpu.memref_squeeze %dma_start3A_203 : memref<1x200x64xf32, #tpu.memory_space<hbm>> -> memref<200x64xf32, #tpu.memory_space<hbm>>
    %dma_start3A_205 = arith.constant 0 : i32
    %dma_start3A_206 = arith.constant 0 : i32
    %dma_start3A_207 = tpu.memref_slice %arg6[%dma_start3A_189, %dma_start3A_205, %dma_start3A_206] : memref<4x200x64xf32, #tpu.memory_space<vmem>> -> memref<1x200x64xf32, #tpu.memory_space<vmem>>
    %dma_start3A_208 = tpu.memref_squeeze %dma_start3A_207 : memref<1x200x64xf32, #tpu.memory_space<vmem>> -> memref<200x64xf32, #tpu.memory_space<vmem>>
    tpu.enqueue_dma source(%dma_start3A_208 : memref<200x64xf32, #tpu.memory_space<vmem>>) target(%dma_start3A_204 : memref<200x64xf32, #tpu.memory_space<hbm>>) target_semaphore(%dma_start3A_200 : memref<!tpu.dma_semaphore, #tpu.memory_space<semaphore_mem>>)
    %add3A_209 = arith.constant 1 : i32
    %add3A_210 = arith.addi %mul3A_2, %add3A_209 : i32
    %dma_wait3A_211 = arith.constant 1 : i32
    %dma_wait3A_212 = arith.constant 1 : i32
    %dma_wait3A_213 = arith.constant 0 : i32
    %dma_wait3A_214 = arith.constant 0 : i32
    %dma_wait3A_215 = tpu.memref_slice %arg6[%dma_wait3A_211, %dma_wait3A_213, %dma_wait3A_214] : memref<4x200x64xf32, #tpu.memory_space<vmem>> -> memref<1x200x64xf32, #tpu.memory_space<vmem>>
    %dma_wait3A_216 = tpu.memref_squeeze %dma_wait3A_215 : memref<1x200x64xf32, #tpu.memory_space<vmem>> -> memref<200x64xf32, #tpu.memory_space<vmem>>
    %dma_wait3A_217 = arith.constant 0 : i32
    %dma_wait3A_218 = arith.constant 0 : i32
    %dma_wait3A_219 = tpu.memref_slice %arg4[%add3A_210, %dma_wait3A_217, %dma_wait3A_218] : memref<4096x200x128xf32, #tpu.memory_space<hbm>> -> memref<1x200x64xf32, #tpu.memory_space<hbm>>
    %dma_wait3A_220 = tpu.memref_squeeze %dma_wait3A_219 : memref<1x200x64xf32, #tpu.memory_space<hbm>> -> memref<200x64xf32, #tpu.memory_space<hbm>>
    %dma_wait3A_221 = tpu.memref_slice %arg8[%dma_wait3A_212] : memref<4x!tpu.dma_semaphore, #tpu.memory_space<semaphore_mem>> -> memref<1x!tpu.dma_semaphore, #tpu.memory_space<semaphore_mem>>
    %dma_wait3A_222 = tpu.memref_squeeze %dma_wait3A_221 : memref<1x!tpu.dma_semaphore, #tpu.memory_space<semaphore_mem>> -> memref<!tpu.dma_semaphore, #tpu.memory_space<semaphore_mem>>
    %dma_wait3A_223 = arith.constant 0 : i32
    %dma_wait3A_224 = arith.constant 0 : i32
    %dma_wait3A_225 = tpu.memref_slice %arg4[%add3A_210, %dma_wait3A_223, %dma_wait3A_224] : memref<4096x200x128xf32, #tpu.memory_space<hbm>> -> memref<1x200x64xf32, #tpu.memory_space<hbm>>
    %dma_wait3A_226 = tpu.memref_squeeze %dma_wait3A_225 : memref<1x200x64xf32, #tpu.memory_space<hbm>> -> memref<200x64xf32, #tpu.memory_space<hbm>>
    %dma_wait3A_227 = arith.constant 0 : i32
    %dma_wait3A_228 = arith.constant 0 : i32
    %dma_wait3A_229 = tpu.memref_slice %arg6[%dma_wait3A_211, %dma_wait3A_227, %dma_wait3A_228] : memref<4x200x64xf32, #tpu.memory_space<vmem>> -> memref<1x200x64xf32, #tpu.memory_space<vmem>>
    %dma_wait3A_230 = tpu.memref_squeeze %dma_wait3A_229 : memref<1x200x64xf32, #tpu.memory_space<vmem>> -> memref<200x64xf32, #tpu.memory_space<vmem>>
    tpu.wait_dma2 semaphore(%dma_wait3A_222 : memref<!tpu.dma_semaphore, #tpu.memory_space<semaphore_mem>>) src(%dma_wait3A_230 : memref<200x64xf32, #tpu.memory_space<vmem>>) dst(%dma_wait3A_226 : memref<200x64xf32, #tpu.memory_space<hbm>>)
    %dma_start3A_231 = arith.constant 5 : i32
    %dma_start3A_232 = arith.constant 1 : i32
    %dma_start3A_233 = arith.constant 1 : i32
    %dma_start3A_234 = arith.constant 0 : i32
    %dma_start3A_235 = arith.constant 0 : i32
    %dma_start3A_236 = tpu.memref_slice %arg6[%dma_start3A_232, %dma_start3A_234, %dma_start3A_235] : memref<4x200x64xf32, #tpu.memory_space<vmem>> -> memref<1x200x64xf32, #tpu.memory_space<vmem>>
    %dma_start3A_237 = tpu.memref_squeeze %dma_start3A_236 : memref<1x200x64xf32, #tpu.memory_space<vmem>> -> memref<200x64xf32, #tpu.memory_space<vmem>>
    %dma_start3A_238 = arith.constant 0 : i32
    %dma_start3A_239 = tpu.memref_slice %arg5[%dma_start3A_231, %dma_start3A_238] : memref<128x200xi32, #tpu.memory_space<vmem>> -> memref<1x200xi32, #tpu.memory_space<vmem>>
    %dma_start3A_240 = tpu.memref_squeeze %dma_start3A_239 : memref<1x200xi32, #tpu.memory_space<vmem>> -> memref<200xi32, #tpu.memory_space<vmem>>
    %dma_start3A_241 = arith.constant 0 : i32
    %dma_start3A_242 = arith.constant 0 : i32
    %dma_start3A_243 = tpu.memref_slice %arg2[%dma_start3A_241, %dma_start3A_242] : memref<1000000x64xf32, #tpu.memory_space<hbm>> -> memref<1000000x64xf32, #tpu.memory_space<hbm>>
    %dma_start3A_244 = tpu.memref_slice %arg7[%dma_start3A_233] : memref<4x!tpu.dma_semaphore, #tpu.memory_space<semaphore_mem>> -> memref<1x!tpu.dma_semaphore, #tpu.memory_space<semaphore_mem>>
    %dma_start3A_245 = tpu.memref_squeeze %dma_start3A_244 : memref<1x!tpu.dma_semaphore, #tpu.memory_space<semaphore_mem>> -> memref<!tpu.dma_semaphore, #tpu.memory_space<semaphore_mem>>
    tpu.enqueue_indirect_dma source(%dma_start3A_243 : memref<1000000x64xf32, #tpu.memory_space<hbm>>) target(%dma_start3A_237 : memref<200x64xf32, #tpu.memory_space<vmem>>) offsets(%dma_start3A_240 : memref<200xi32, #tpu.memory_space<vmem>>) semaphore(%dma_start3A_245 : memref<!tpu.dma_semaphore, #tpu.memory_space<semaphore_mem>>)
    %dma_wait3A_246 = arith.constant 3 : i32
    %dma_wait3A_247 = arith.constant 3 : i32
    %dma_wait3A_248 = arith.constant 3 : i32
    %dma_wait3A_249 = arith.constant 0 : i32
    %dma_wait3A_250 = arith.constant 0 : i32
    %dma_wait3A_251 = tpu.memref_slice %arg6[%dma_wait3A_247, %dma_wait3A_249, %dma_wait3A_250] : memref<4x200x64xf32, #tpu.memory_space<vmem>> -> memref<1x200x64xf32, #tpu.memory_space<vmem>>
    %dma_wait3A_252 = tpu.memref_squeeze %dma_wait3A_251 : memref<1x200x64xf32, #tpu.memory_space<vmem>> -> memref<200x64xf32, #tpu.memory_space<vmem>>
    %dma_wait3A_253 = arith.constant 0 : i32
    %dma_wait3A_254 = tpu.memref_slice %arg5[%dma_wait3A_246, %dma_wait3A_253] : memref<128x200xi32, #tpu.memory_space<vmem>> -> memref<1x200xi32, #tpu.memory_space<vmem>>
    %dma_wait3A_255 = tpu.memref_squeeze %dma_wait3A_254 : memref<1x200xi32, #tpu.memory_space<vmem>> -> memref<200xi32, #tpu.memory_space<vmem>>
    %dma_wait3A_256 = arith.constant 0 : i32
    %dma_wait3A_257 = arith.constant 0 : i32
    %dma_wait3A_258 = tpu.memref_slice %arg2[%dma_wait3A_256, %dma_wait3A_257] : memref<1000000x64xf32, #tpu.memory_space<hbm>> -> memref<1000000x64xf32, #tpu.memory_space<hbm>>
    %dma_wait3A_259 = tpu.memref_slice %arg7[%dma_wait3A_248] : memref<4x!tpu.dma_semaphore, #tpu.memory_space<semaphore_mem>> -> memref<1x!tpu.dma_semaphore, #tpu.memory_space<semaphore_mem>>
    %dma_wait3A_260 = tpu.memref_squeeze %dma_wait3A_259 : memref<1x!tpu.dma_semaphore, #tpu.memory_space<semaphore_mem>> -> memref<!tpu.dma_semaphore, #tpu.memory_space<semaphore_mem>>
    tpu.wait_indirect_dma semaphore(%dma_wait3A_260 : memref<!tpu.dma_semaphore, #tpu.memory_space<semaphore_mem>>) src(%dma_wait3A_258 : memref<1000000x64xf32, #tpu.memory_space<hbm>>) dst(%dma_wait3A_252 : memref<200x64xf32, #tpu.memory_space<vmem>>)
    %add3A_261 = arith.constant 3 : i32
    %add3A_262 = arith.addi %mul3A_2, %add3A_261 : i32
    %dma_start3A_263 = arith.constant 3 : i32
    %dma_start3A_264 = arith.constant 3 : i32
    %dma_start3A_265 = arith.constant 0 : i32
    %dma_start3A_266 = arith.constant 0 : i32
    %dma_start3A_267 = tpu.memref_slice %arg6[%dma_start3A_263, %dma_start3A_265, %dma_start3A_266] : memref<4x200x64xf32, #tpu.memory_space<vmem>> -> memref<1x200x64xf32, #tpu.memory_space<vmem>>
    %dma_start3A_268 = tpu.memref_squeeze %dma_start3A_267 : memref<1x200x64xf32, #tpu.memory_space<vmem>> -> memref<200x64xf32, #tpu.memory_space<vmem>>
    %dma_start3A_269 = arith.constant 0 : i32
    %dma_start3A_270 = arith.constant 0 : i32
    %dma_start3A_271 = tpu.memref_slice %arg4[%add3A_262, %dma_start3A_269, %dma_start3A_270] : memref<4096x200x128xf32, #tpu.memory_space<hbm>> -> memref<1x200x64xf32, #tpu.memory_space<hbm>>
    %dma_start3A_272 = tpu.memref_squeeze %dma_start3A_271 : memref<1x200x64xf32, #tpu.memory_space<hbm>> -> memref<200x64xf32, #tpu.memory_space<hbm>>
    %dma_start3A_273 = tpu.memref_slice %arg8[%dma_start3A_264] : memref<4x!tpu.dma_semaphore, #tpu.memory_space<semaphore_mem>> -> memref<1x!tpu.dma_semaphore, #tpu.memory_space<semaphore_mem>>
    %dma_start3A_274 = tpu.memref_squeeze %dma_start3A_273 : memref<1x!tpu.dma_semaphore, #tpu.memory_space<semaphore_mem>> -> memref<!tpu.dma_semaphore, #tpu.memory_space<semaphore_mem>>
    %dma_start3A_275 = arith.constant 0 : i32
    %dma_start3A_276 = arith.constant 0 : i32
    %dma_start3A_277 = tpu.memref_slice %arg4[%add3A_262, %dma_start3A_275, %dma_start3A_276] : memref<4096x200x128xf32, #tpu.memory_space<hbm>> -> memref<1x200x64xf32, #tpu.memory_space<hbm>>
    %dma_start3A_278 = tpu.memref_squeeze %dma_start3A_277 : memref<1x200x64xf32, #tpu.memory_space<hbm>> -> memref<200x64xf32, #tpu.memory_space<hbm>>
    %dma_start3A_279 = arith.constant 0 : i32
    %dma_start3A_280 = arith.constant 0 : i32
    %dma_start3A_281 = tpu.memref_slice %arg6[%dma_start3A_263, %dma_start3A_279, %dma_start3A_280] : memref<4x200x64xf32, #tpu.memory_space<vmem>> -> memref<1x200x64xf32, #tpu.memory_space<vmem>>
    %dma_start3A_282 = tpu.memref_squeeze %dma_start3A_281 : memref<1x200x64xf32, #tpu.memory_space<vmem>> -> memref<200x64xf32, #tpu.memory_space<vmem>>
    tpu.enqueue_dma source(%dma_start3A_282 : memref<200x64xf32, #tpu.memory_space<vmem>>) target(%dma_start3A_278 : memref<200x64xf32, #tpu.memory_space<hbm>>) target_semaphore(%dma_start3A_274 : memref<!tpu.dma_semaphore, #tpu.memory_space<semaphore_mem>>)
    %add3A_283 = arith.constant 2 : i32
    %add3A_284 = arith.addi %mul3A_2, %add3A_283 : i32
    %dma_wait3A_285 = arith.constant 2 : i32
    %dma_wait3A_286 = arith.constant 2 : i32
    %dma_wait3A_287 = arith.constant 0 : i32
    %dma_wait3A_288 = arith.constant 0 : i32
    %dma_wait3A_289 = tpu.memref_slice %arg6[%dma_wait3A_285, %dma_wait3A_287, %dma_wait3A_288] : memref<4x200x64xf32, #tpu.memory_space<vmem>> -> memref<1x200x64xf32, #tpu.memory_space<vmem>>
    %dma_wait3A_290 = tpu.memref_squeeze %dma_wait3A_289 : memref<1x200x64xf32, #tpu.memory_space<vmem>> -> memref<200x64xf32, #tpu.memory_space<vmem>>
    %dma_wait3A_291 = arith.constant 0 : i32
    %dma_wait3A_292 = arith.constant 0 : i32
    %dma_wait3A_293 = tpu.memref_slice %arg4[%add3A_284, %dma_wait3A_291, %dma_wait3A_292] : memref<4096x200x128xf32, #tpu.memory_space<hbm>> -> memref<1x200x64xf32, #tpu.memory_space<hbm>>
    %dma_wait3A_294 = tpu.memref_squeeze %dma_wait3A_293 : memref<1x200x64xf32, #tpu.memory_space<hbm>> -> memref<200x64xf32, #tpu.memory_space<hbm>>
    %dma_wait3A_295 = tpu.memref_slice %arg8[%dma_wait3A_286] : memref<4x!tpu.dma_semaphore, #tpu.memory_space<semaphore_mem>> -> memref<1x!tpu.dma_semaphore, #tpu.memory_space<semaphore_mem>>
    %dma_wait3A_296 = tpu.memref_squeeze %dma_wait3A_295 : memref<1x!tpu.dma_semaphore, #tpu.memory_space<semaphore_mem>> -> memref<!tpu.dma_semaphore, #tpu.memory_space<semaphore_mem>>
    %dma_wait3A_297 = arith.constant 0 : i32
    %dma_wait3A_298 = arith.constant 0 : i32
    %dma_wait3A_299 = tpu.memref_slice %arg4[%add3A_284, %dma_wait3A_297, %dma_wait3A_298] : memref<4096x200x128xf32, #tpu.memory_space<hbm>> -> memref<1x200x64xf32, #tpu.memory_space<hbm>>
    %dma_wait3A_300 = tpu.memref_squeeze %dma_wait3A_299 : memref<1x200x64xf32, #tpu.memory_space<hbm>> -> memref<200x64xf32, #tpu.memory_space<hbm>>
    %dma_wait3A_301 = arith.constant 0 : i32
    %dma_wait3A_302 = arith.constant 0 : i32
    %dma_wait3A_303 = tpu.memref_slice %arg6[%dma_wait3A_285, %dma_wait3A_301, %dma_wait3A_302] : memref<4x200x64xf32, #tpu.memory_space<vmem>> -> memref<1x200x64xf32, #tpu.memory_space<vmem>>
    %dma_wait3A_304 = tpu.memref_squeeze %dma_wait3A_303 : memref<1x200x64xf32, #tpu.memory_space<vmem>> -> memref<200x64xf32, #tpu.memory_space<vmem>>
    tpu.wait_dma2 semaphore(%dma_wait3A_296 : memref<!tpu.dma_semaphore, #tpu.memory_space<semaphore_mem>>) src(%dma_wait3A_304 : memref<200x64xf32, #tpu.memory_space<vmem>>) dst(%dma_wait3A_300 : memref<200x64xf32, #tpu.memory_space<hbm>>)
    %dma_start3A_305 = arith.constant 6 : i32
    %dma_start3A_306 = arith.constant 2 : i32
    %dma_start3A_307 = arith.constant 2 : i32
    %dma_start3A_308 = arith.constant 0 : i32
    %dma_start3A_309 = arith.constant 0 : i32
    %dma_start3A_310 = tpu.memref_slice %arg6[%dma_start3A_306, %dma_start3A_308, %dma_start3A_309] : memref<4x200x64xf32, #tpu.memory_space<vmem>> -> memref<1x200x64xf32, #tpu.memory_space<vmem>>
    %dma_start3A_311 = tpu.memref_squeeze %dma_start3A_310 : memref<1x200x64xf32, #tpu.memory_space<vmem>> -> memref<200x64xf32, #tpu.memory_space<vmem>>
    %dma_start3A_312 = arith.constant 0 : i32
    %dma_start3A_313 = tpu.memref_slice %arg5[%dma_start3A_305, %dma_start3A_312] : memref<128x200xi32, #tpu.memory_space<vmem>> -> memref<1x200xi32, #tpu.memory_space<vmem>>
    %dma_start3A_314 = tpu.memref_squeeze %dma_start3A_313 : memref<1x200xi32, #tpu.memory_space<vmem>> -> memref<200xi32, #tpu.memory_space<vmem>>
    %dma_start3A_315 = arith.constant 0 : i32
    %dma_start3A_316 = arith.constant 0 : i32
    %dma_start3A_317 = tpu.memref_slice %arg2[%dma_start3A_315, %dma_start3A_316] : memref<1000000x64xf32, #tpu.memory_space<hbm>> -> memref<1000000x64xf32, #tpu.memory_space<hbm>>
    %dma_start3A_318 = tpu.memref_slice %arg7[%dma_start3A_307] : memref<4x!tpu.dma_semaphore, #tpu.memory_space<semaphore_mem>> -> memref<1x!tpu.dma_semaphore, #tpu.memory_space<semaphore_mem>>
    %dma_start3A_319 = tpu.memref_squeeze %dma_start3A_318 : memref<1x!tpu.dma_semaphore, #tpu.memory_space<semaphore_mem>> -> memref<!tpu.dma_semaphore, #tpu.memory_space<semaphore_mem>>
    tpu.enqueue_indirect_dma source(%dma_start3A_317 : memref<1000000x64xf32, #tpu.memory_space<hbm>>) target(%dma_start3A_311 : memref<200x64xf32, #tpu.memory_space<vmem>>) offsets(%dma_start3A_314 : memref<200xi32, #tpu.memory_space<vmem>>) semaphore(%dma_start3A_319 : memref<!tpu.dma_semaphore, #tpu.memory_space<semaphore_mem>>)
    %scan3A = arith.constant 0 : i32
    %scan3A_320 = arith.constant 30 : i32
    %scan3A_321 = arith.addi %scan3A, %scan3A_320 : i32
    %scan3A_322 = arith.constant 1 : i32
    scf.for %scan3A_597 = %scan3A to %scan3A_321 step %scan3A_322  : i32 {
      %mul3A_598 = arith.constant 1 : i32
      %mul3A_599 = arith.muli %scan3A_597, %mul3A_598 : i32
      %add3A_600 = arith.constant 1 : i32
      %add3A_601 = arith.addi %add3A_600, %mul3A_599 : i32
      %mul3A_602 = arith.constant 4 : i32
      %mul3A_603 = arith.muli %add3A_601, %mul3A_602 : i32
      %add3A_604 = arith.constant 0 : i32
      %add3A_605 = arith.addi %mul3A_603, %add3A_604 : i32
      %dma_wait3A_606 = arith.constant 0 : i32
      %dma_wait3A_607 = arith.constant 0 : i32
      %dma_wait3A_608 = arith.constant 0 : i32
      %dma_wait3A_609 = arith.constant 0 : i32
      %dma_wait3A_610 = tpu.memref_slice %arg6[%dma_wait3A_606, %dma_wait3A_608, %dma_wait3A_609] : memref<4x200x64xf32, #tpu.memory_space<vmem>> -> memref<1x200x64xf32, #tpu.memory_space<vmem>>
      %dma_wait3A_611 = tpu.memref_squeeze %dma_wait3A_610 : memref<1x200x64xf32, #tpu.memory_space<vmem>> -> memref<200x64xf32, #tpu.memory_space<vmem>>
      %dma_wait3A_612 = arith.constant 0 : i32
      %dma_wait3A_613 = tpu.memref_slice %arg5[%add3A_605, %dma_wait3A_612] : memref<128x200xi32, #tpu.memory_space<vmem>> -> memref<1x200xi32, #tpu.memory_space<vmem>>
      %dma_wait3A_614 = tpu.memref_squeeze %dma_wait3A_613 : memref<1x200xi32, #tpu.memory_space<vmem>> -> memref<200xi32, #tpu.memory_space<vmem>>
      %dma_wait3A_615 = arith.constant 0 : i32
      %dma_wait3A_616 = arith.constant 0 : i32
      %dma_wait3A_617 = tpu.memref_slice %arg2[%dma_wait3A_615, %dma_wait3A_616] : memref<1000000x64xf32, #tpu.memory_space<hbm>> -> memref<1000000x64xf32, #tpu.memory_space<hbm>>
      %dma_wait3A_618 = tpu.memref_slice %arg7[%dma_wait3A_607] : memref<4x!tpu.dma_semaphore, #tpu.memory_space<semaphore_mem>> -> memref<1x!tpu.dma_semaphore, #tpu.memory_space<semaphore_mem>>
      %dma_wait3A_619 = tpu.memref_squeeze %dma_wait3A_618 : memref<1x!tpu.dma_semaphore, #tpu.memory_space<semaphore_mem>> -> memref<!tpu.dma_semaphore, #tpu.memory_space<semaphore_mem>>
      tpu.wait_indirect_dma semaphore(%dma_wait3A_619 : memref<!tpu.dma_semaphore, #tpu.memory_space<semaphore_mem>>) src(%dma_wait3A_617 : memref<1000000x64xf32, #tpu.memory_space<hbm>>) dst(%dma_wait3A_611 : memref<200x64xf32, #tpu.memory_space<vmem>>)
      %add3A_620 = arith.addi %mul3A_2, %add3A_605 : i32
      %dma_start3A_621 = arith.constant 0 : i32
      %dma_start3A_622 = arith.constant 0 : i32
      %dma_start3A_623 = arith.constant 0 : i32
      %dma_start3A_624 = arith.constant 0 : i32
      %dma_start3A_625 = tpu.memref_slice %arg6[%dma_start3A_621, %dma_start3A_623, %dma_start3A_624] : memref<4x200x64xf32, #tpu.memory_space<vmem>> -> memref<1x200x64xf32, #tpu.memory_space<vmem>>
      %dma_start3A_626 = tpu.memref_squeeze %dma_start3A_625 : memref<1x200x64xf32, #tpu.memory_space<vmem>> -> memref<200x64xf32, #tpu.memory_space<vmem>>
      %dma_start3A_627 = arith.constant 0 : i32
      %dma_start3A_628 = arith.constant 0 : i32
      %dma_start3A_629 = tpu.memref_slice %arg4[%add3A_620, %dma_start3A_627, %dma_start3A_628] : memref<4096x200x128xf32, #tpu.memory_space<hbm>> -> memref<1x200x64xf32, #tpu.memory_space<hbm>>
      %dma_start3A_630 = tpu.memref_squeeze %dma_start3A_629 : memref<1x200x64xf32, #tpu.memory_space<hbm>> -> memref<200x64xf32, #tpu.memory_space<hbm>>
      %dma_start3A_631 = tpu.memref_slice %arg8[%dma_start3A_622] : memref<4x!tpu.dma_semaphore, #tpu.memory_space<semaphore_mem>> -> memref<1x!tpu.dma_semaphore, #tpu.memory_space<semaphore_mem>>
      %dma_start3A_632 = tpu.memref_squeeze %dma_start3A_631 : memref<1x!tpu.dma_semaphore, #tpu.memory_space<semaphore_mem>> -> memref<!tpu.dma_semaphore, #tpu.memory_space<semaphore_mem>>
      %dma_start3A_633 = arith.constant 0 : i32
      %dma_start3A_634 = arith.constant 0 : i32
      %dma_start3A_635 = tpu.memref_slice %arg4[%add3A_620, %dma_start3A_633, %dma_start3A_634] : memref<4096x200x128xf32, #tpu.memory_space<hbm>> -> memref<1x200x64xf32, #tpu.memory_space<hbm>>
      %dma_start3A_636 = tpu.memref_squeeze %dma_start3A_635 : memref<1x200x64xf32, #tpu.memory_space<hbm>> -> memref<200x64xf32, #tpu.memory_space<hbm>>
      %dma_start3A_637 = arith.constant 0 : i32
      %dma_start3A_638 = arith.constant 0 : i32
      %dma_start3A_639 = tpu.memref_slice %arg6[%dma_start3A_621, %dma_start3A_637, %dma_start3A_638] : memref<4x200x64xf32, #tpu.memory_space<vmem>> -> memref<1x200x64xf32, #tpu.memory_space<vmem>>
      %dma_start3A_640 = tpu.memref_squeeze %dma_start3A_639 : memref<1x200x64xf32, #tpu.memory_space<vmem>> -> memref<200x64xf32, #tpu.memory_space<vmem>>
      tpu.enqueue_dma source(%dma_start3A_640 : memref<200x64xf32, #tpu.memory_space<vmem>>) target(%dma_start3A_636 : memref<200x64xf32, #tpu.memory_space<hbm>>) target_semaphore(%dma_start3A_632 : memref<!tpu.dma_semaphore, #tpu.memory_space<semaphore_mem>>)
      %sub3A = arith.constant 1 : i32
      %sub3A_641 = arith.subi %add3A_605, %sub3A : i32
      %add3A_642 = arith.addi %mul3A_2, %sub3A_641 : i32
      %dma_wait3A_643 = arith.constant 3 : i32
      %dma_wait3A_644 = arith.constant 3 : i32
      %dma_wait3A_645 = arith.constant 0 : i32
      %dma_wait3A_646 = arith.constant 0 : i32
      %dma_wait3A_647 = tpu.memref_slice %arg6[%dma_wait3A_643, %dma_wait3A_645, %dma_wait3A_646] : memref<4x200x64xf32, #tpu.memory_space<vmem>> -> memref<1x200x64xf32, #tpu.memory_space<vmem>>
      %dma_wait3A_648 = tpu.memref_squeeze %dma_wait3A_647 : memref<1x200x64xf32, #tpu.memory_space<vmem>> -> memref<200x64xf32, #tpu.memory_space<vmem>>
      %dma_wait3A_649 = arith.constant 0 : i32
      %dma_wait3A_650 = arith.constant 0 : i32
      %dma_wait3A_651 = tpu.memref_slice %arg4[%add3A_642, %dma_wait3A_649, %dma_wait3A_650] : memref<4096x200x128xf32, #tpu.memory_space<hbm>> -> memref<1x200x64xf32, #tpu.memory_space<hbm>>
      %dma_wait3A_652 = tpu.memref_squeeze %dma_wait3A_651 : memref<1x200x64xf32, #tpu.memory_space<hbm>> -> memref<200x64xf32, #tpu.memory_space<hbm>>
      %dma_wait3A_653 = tpu.memref_slice %arg8[%dma_wait3A_644] : memref<4x!tpu.dma_semaphore, #tpu.memory_space<semaphore_mem>> -> memref<1x!tpu.dma_semaphore, #tpu.memory_space<semaphore_mem>>
      %dma_wait3A_654 = tpu.memref_squeeze %dma_wait3A_653 : memref<1x!tpu.dma_semaphore, #tpu.memory_space<semaphore_mem>> -> memref<!tpu.dma_semaphore, #tpu.memory_space<semaphore_mem>>
      %dma_wait3A_655 = arith.constant 0 : i32
      %dma_wait3A_656 = arith.constant 0 : i32
      %dma_wait3A_657 = tpu.memref_slice %arg4[%add3A_642, %dma_wait3A_655, %dma_wait3A_656] : memref<4096x200x128xf32, #tpu.memory_space<hbm>> -> memref<1x200x64xf32, #tpu.memory_space<hbm>>
      %dma_wait3A_658 = tpu.memref_squeeze %dma_wait3A_657 : memref<1x200x64xf32, #tpu.memory_space<hbm>> -> memref<200x64xf32, #tpu.memory_space<hbm>>
      %dma_wait3A_659 = arith.constant 0 : i32
      %dma_wait3A_660 = arith.constant 0 : i32
      %dma_wait3A_661 = tpu.memref_slice %arg6[%dma_wait3A_643, %dma_wait3A_659, %dma_wait3A_660] : memref<4x200x64xf32, #tpu.memory_space<vmem>> -> memref<1x200x64xf32, #tpu.memory_space<vmem>>
      %dma_wait3A_662 = tpu.memref_squeeze %dma_wait3A_661 : memref<1x200x64xf32, #tpu.memory_space<vmem>> -> memref<200x64xf32, #tpu.memory_space<vmem>>
      tpu.wait_dma2 semaphore(%dma_wait3A_654 : memref<!tpu.dma_semaphore, #tpu.memory_space<semaphore_mem>>) src(%dma_wait3A_662 : memref<200x64xf32, #tpu.memory_space<vmem>>) dst(%dma_wait3A_658 : memref<200x64xf32, #tpu.memory_space<hbm>>)
      %add3A_663 = arith.constant 3 : i32
      %add3A_664 = arith.addi %add3A_605, %add3A_663 : i32
      %dma_start3A_665 = arith.constant 3 : i32
      %dma_start3A_666 = arith.constant 3 : i32
      %dma_start3A_667 = arith.constant 0 : i32
      %dma_start3A_668 = arith.constant 0 : i32
      %dma_start3A_669 = tpu.memref_slice %arg6[%dma_start3A_665, %dma_start3A_667, %dma_start3A_668] : memref<4x200x64xf32, #tpu.memory_space<vmem>> -> memref<1x200x64xf32, #tpu.memory_space<vmem>>
      %dma_start3A_670 = tpu.memref_squeeze %dma_start3A_669 : memref<1x200x64xf32, #tpu.memory_space<vmem>> -> memref<200x64xf32, #tpu.memory_space<vmem>>
      %dma_start3A_671 = arith.constant 0 : i32
      %dma_start3A_672 = tpu.memref_slice %arg5[%add3A_664, %dma_start3A_671] : memref<128x200xi32, #tpu.memory_space<vmem>> -> memref<1x200xi32, #tpu.memory_space<vmem>>
      %dma_start3A_673 = tpu.memref_squeeze %dma_start3A_672 : memref<1x200xi32, #tpu.memory_space<vmem>> -> memref<200xi32, #tpu.memory_space<vmem>>
      %dma_start3A_674 = arith.constant 0 : i32
      %dma_start3A_675 = arith.constant 0 : i32
      %dma_start3A_676 = tpu.memref_slice %arg2[%dma_start3A_674, %dma_start3A_675] : memref<1000000x64xf32, #tpu.memory_space<hbm>> -> memref<1000000x64xf32, #tpu.memory_space<hbm>>
      %dma_start3A_677 = tpu.memref_slice %arg7[%dma_start3A_666] : memref<4x!tpu.dma_semaphore, #tpu.memory_space<semaphore_mem>> -> memref<1x!tpu.dma_semaphore, #tpu.memory_space<semaphore_mem>>
      %dma_start3A_678 = tpu.memref_squeeze %dma_start3A_677 : memref<1x!tpu.dma_semaphore, #tpu.memory_space<semaphore_mem>> -> memref<!tpu.dma_semaphore, #tpu.memory_space<semaphore_mem>>
      tpu.enqueue_indirect_dma source(%dma_start3A_676 : memref<1000000x64xf32, #tpu.memory_space<hbm>>) target(%dma_start3A_670 : memref<200x64xf32, #tpu.memory_space<vmem>>) offsets(%dma_start3A_673 : memref<200xi32, #tpu.memory_space<vmem>>) semaphore(%dma_start3A_678 : memref<!tpu.dma_semaphore, #tpu.memory_space<semaphore_mem>>)
      %add3A_679 = arith.constant 1 : i32
      %add3A_680 = arith.addi %mul3A_603, %add3A_679 : i32
      %dma_wait3A_681 = arith.constant 1 : i32
      %dma_wait3A_682 = arith.constant 1 : i32
      %dma_wait3A_683 = arith.constant 0 : i32
      %dma_wait3A_684 = arith.constant 0 : i32
      %dma_wait3A_685 = tpu.memref_slice %arg6[%dma_wait3A_681, %dma_wait3A_683, %dma_wait3A_684] : memref<4x200x64xf32, #tpu.memory_space<vmem>> -> memref<1x200x64xf32, #tpu.memory_space<vmem>>
      %dma_wait3A_686 = tpu.memref_squeeze %dma_wait3A_685 : memref<1x200x64xf32, #tpu.memory_space<vmem>> -> memref<200x64xf32, #tpu.memory_space<vmem>>
      %dma_wait3A_687 = arith.constant 0 : i32
      %dma_wait3A_688 = tpu.memref_slice %arg5[%add3A_680, %dma_wait3A_687] : memref<128x200xi32, #tpu.memory_space<vmem>> -> memref<1x200xi32, #tpu.memory_space<vmem>>
      %dma_wait3A_689 = tpu.memref_squeeze %dma_wait3A_688 : memref<1x200xi32, #tpu.memory_space<vmem>> -> memref<200xi32, #tpu.memory_space<vmem>>
      %dma_wait3A_690 = arith.constant 0 : i32
      %dma_wait3A_691 = arith.constant 0 : i32
      %dma_wait3A_692 = tpu.memref_slice %arg2[%dma_wait3A_690, %dma_wait3A_691] : memref<1000000x64xf32, #tpu.memory_space<hbm>> -> memref<1000000x64xf32, #tpu.memory_space<hbm>>
      %dma_wait3A_693 = tpu.memref_slice %arg7[%dma_wait3A_682] : memref<4x!tpu.dma_semaphore, #tpu.memory_space<semaphore_mem>> -> memref<1x!tpu.dma_semaphore, #tpu.memory_space<semaphore_mem>>
      %dma_wait3A_694 = tpu.memref_squeeze %dma_wait3A_693 : memref<1x!tpu.dma_semaphore, #tpu.memory_space<semaphore_mem>> -> memref<!tpu.dma_semaphore, #tpu.memory_space<semaphore_mem>>
      tpu.wait_indirect_dma semaphore(%dma_wait3A_694 : memref<!tpu.dma_semaphore, #tpu.memory_space<semaphore_mem>>) src(%dma_wait3A_692 : memref<1000000x64xf32, #tpu.memory_space<hbm>>) dst(%dma_wait3A_686 : memref<200x64xf32, #tpu.memory_space<vmem>>)
      %add3A_695 = arith.addi %mul3A_2, %add3A_680 : i32
      %dma_start3A_696 = arith.constant 1 : i32
      %dma_start3A_697 = arith.constant 1 : i32
      %dma_start3A_698 = arith.constant 0 : i32
      %dma_start3A_699 = arith.constant 0 : i32
      %dma_start3A_700 = tpu.memref_slice %arg6[%dma_start3A_696, %dma_start3A_698, %dma_start3A_699] : memref<4x200x64xf32, #tpu.memory_space<vmem>> -> memref<1x200x64xf32, #tpu.memory_space<vmem>>
      %dma_start3A_701 = tpu.memref_squeeze %dma_start3A_700 : memref<1x200x64xf32, #tpu.memory_space<vmem>> -> memref<200x64xf32, #tpu.memory_space<vmem>>
      %dma_start3A_702 = arith.constant 0 : i32
      %dma_start3A_703 = arith.constant 0 : i32
      %dma_start3A_704 = tpu.memref_slice %arg4[%add3A_695, %dma_start3A_702, %dma_start3A_703] : memref<4096x200x128xf32, #tpu.memory_space<hbm>> -> memref<1x200x64xf32, #tpu.memory_space<hbm>>
      %dma_start3A_705 = tpu.memref_squeeze %dma_start3A_704 : memref<1x200x64xf32, #tpu.memory_space<hbm>> -> memref<200x64xf32, #tpu.memory_space<hbm>>
      %dma_start3A_706 = tpu.memref_slice %arg8[%dma_start3A_697] : memref<4x!tpu.dma_semaphore, #tpu.memory_space<semaphore_mem>> -> memref<1x!tpu.dma_semaphore, #tpu.memory_space<semaphore_mem>>
      %dma_start3A_707 = tpu.memref_squeeze %dma_start3A_706 : memref<1x!tpu.dma_semaphore, #tpu.memory_space<semaphore_mem>> -> memref<!tpu.dma_semaphore, #tpu.memory_space<semaphore_mem>>
      %dma_start3A_708 = arith.constant 0 : i32
      %dma_start3A_709 = arith.constant 0 : i32
      %dma_start3A_710 = tpu.memref_slice %arg4[%add3A_695, %dma_start3A_708, %dma_start3A_709] : memref<4096x200x128xf32, #tpu.memory_space<hbm>> -> memref<1x200x64xf32, #tpu.memory_space<hbm>>
      %dma_start3A_711 = tpu.memref_squeeze %dma_start3A_710 : memref<1x200x64xf32, #tpu.memory_space<hbm>> -> memref<200x64xf32, #tpu.memory_space<hbm>>
      %dma_start3A_712 = arith.constant 0 : i32
      %dma_start3A_713 = arith.constant 0 : i32
      %dma_start3A_714 = tpu.memref_slice %arg6[%dma_start3A_696, %dma_start3A_712, %dma_start3A_713] : memref<4x200x64xf32, #tpu.memory_space<vmem>> -> memref<1x200x64xf32, #tpu.memory_space<vmem>>
      %dma_start3A_715 = tpu.memref_squeeze %dma_start3A_714 : memref<1x200x64xf32, #tpu.memory_space<vmem>> -> memref<200x64xf32, #tpu.memory_space<vmem>>
      tpu.enqueue_dma source(%dma_start3A_715 : memref<200x64xf32, #tpu.memory_space<vmem>>) target(%dma_start3A_711 : memref<200x64xf32, #tpu.memory_space<hbm>>) target_semaphore(%dma_start3A_707 : memref<!tpu.dma_semaphore, #tpu.memory_space<semaphore_mem>>)
      %sub3A_716 = arith.constant 1 : i32
      %sub3A_717 = arith.subi %add3A_680, %sub3A_716 : i32
      %add3A_718 = arith.addi %mul3A_2, %sub3A_717 : i32
      %dma_wait3A_719 = arith.constant 0 : i32
      %dma_wait3A_720 = arith.constant 0 : i32
      %dma_wait3A_721 = arith.constant 0 : i32
      %dma_wait3A_722 = arith.constant 0 : i32
      %dma_wait3A_723 = tpu.memref_slice %arg6[%dma_wait3A_719, %dma_wait3A_721, %dma_wait3A_722] : memref<4x200x64xf32, #tpu.memory_space<vmem>> -> memref<1x200x64xf32, #tpu.memory_space<vmem>>
      %dma_wait3A_724 = tpu.memref_squeeze %dma_wait3A_723 : memref<1x200x64xf32, #tpu.memory_space<vmem>> -> memref<200x64xf32, #tpu.memory_space<vmem>>
      %dma_wait3A_725 = arith.constant 0 : i32
      %dma_wait3A_726 = arith.constant 0 : i32
      %dma_wait3A_727 = tpu.memref_slice %arg4[%add3A_718, %dma_wait3A_725, %dma_wait3A_726] : memref<4096x200x128xf32, #tpu.memory_space<hbm>> -> memref<1x200x64xf32, #tpu.memory_space<hbm>>
      %dma_wait3A_728 = tpu.memref_squeeze %dma_wait3A_727 : memref<1x200x64xf32, #tpu.memory_space<hbm>> -> memref<200x64xf32, #tpu.memory_space<hbm>>
      %dma_wait3A_729 = tpu.memref_slice %arg8[%dma_wait3A_720] : memref<4x!tpu.dma_semaphore, #tpu.memory_space<semaphore_mem>> -> memref<1x!tpu.dma_semaphore, #tpu.memory_space<semaphore_mem>>
      %dma_wait3A_730 = tpu.memref_squeeze %dma_wait3A_729 : memref<1x!tpu.dma_semaphore, #tpu.memory_space<semaphore_mem>> -> memref<!tpu.dma_semaphore, #tpu.memory_space<semaphore_mem>>
      %dma_wait3A_731 = arith.constant 0 : i32
      %dma_wait3A_732 = arith.constant 0 : i32
      %dma_wait3A_733 = tpu.memref_slice %arg4[%add3A_718, %dma_wait3A_731, %dma_wait3A_732] : memref<4096x200x128xf32, #tpu.memory_space<hbm>> -> memref<1x200x64xf32, #tpu.memory_space<hbm>>
      %dma_wait3A_734 = tpu.memref_squeeze %dma_wait3A_733 : memref<1x200x64xf32, #tpu.memory_space<hbm>> -> memref<200x64xf32, #tpu.memory_space<hbm>>
      %dma_wait3A_735 = arith.constant 0 : i32
      %dma_wait3A_736 = arith.constant 0 : i32
      %dma_wait3A_737 = tpu.memref_slice %arg6[%dma_wait3A_719, %dma_wait3A_735, %dma_wait3A_736] : memref<4x200x64xf32, #tpu.memory_space<vmem>> -> memref<1x200x64xf32, #tpu.memory_space<vmem>>
      %dma_wait3A_738 = tpu.memref_squeeze %dma_wait3A_737 : memref<1x200x64xf32, #tpu.memory_space<vmem>> -> memref<200x64xf32, #tpu.memory_space<vmem>>
      tpu.wait_dma2 semaphore(%dma_wait3A_730 : memref<!tpu.dma_semaphore, #tpu.memory_space<semaphore_mem>>) src(%dma_wait3A_738 : memref<200x64xf32, #tpu.memory_space<vmem>>) dst(%dma_wait3A_734 : memref<200x64xf32, #tpu.memory_space<hbm>>)
      %add3A_739 = arith.constant 3 : i32
      %add3A_740 = arith.addi %add3A_680, %add3A_739 : i32
      %dma_start3A_741 = arith.constant 0 : i32
      %dma_start3A_742 = arith.constant 0 : i32
      %dma_start3A_743 = arith.constant 0 : i32
      %dma_start3A_744 = arith.constant 0 : i32
      %dma_start3A_745 = tpu.memref_slice %arg6[%dma_start3A_741, %dma_start3A_743, %dma_start3A_744] : memref<4x200x64xf32, #tpu.memory_space<vmem>> -> memref<1x200x64xf32, #tpu.memory_space<vmem>>
      %dma_start3A_746 = tpu.memref_squeeze %dma_start3A_745 : memref<1x200x64xf32, #tpu.memory_space<vmem>> -> memref<200x64xf32, #tpu.memory_space<vmem>>
      %dma_start3A_747 = arith.constant 0 : i32
      %dma_start3A_748 = tpu.memref_slice %arg5[%add3A_740, %dma_start3A_747] : memref<128x200xi32, #tpu.memory_space<vmem>> -> memref<1x200xi32, #tpu.memory_space<vmem>>
      %dma_start3A_749 = tpu.memref_squeeze %dma_start3A_748 : memref<1x200xi32, #tpu.memory_space<vmem>> -> memref<200xi32, #tpu.memory_space<vmem>>
      %dma_start3A_750 = arith.constant 0 : i32
      %dma_start3A_751 = arith.constant 0 : i32
      %dma_start3A_752 = tpu.memref_slice %arg2[%dma_start3A_750, %dma_start3A_751] : memref<1000000x64xf32, #tpu.memory_space<hbm>> -> memref<1000000x64xf32, #tpu.memory_space<hbm>>
      %dma_start3A_753 = tpu.memref_slice %arg7[%dma_start3A_742] : memref<4x!tpu.dma_semaphore, #tpu.memory_space<semaphore_mem>> -> memref<1x!tpu.dma_semaphore, #tpu.memory_space<semaphore_mem>>
      %dma_start3A_754 = tpu.memref_squeeze %dma_start3A_753 : memref<1x!tpu.dma_semaphore, #tpu.memory_space<semaphore_mem>> -> memref<!tpu.dma_semaphore, #tpu.memory_space<semaphore_mem>>
      tpu.enqueue_indirect_dma source(%dma_start3A_752 : memref<1000000x64xf32, #tpu.memory_space<hbm>>) target(%dma_start3A_746 : memref<200x64xf32, #tpu.memory_space<vmem>>) offsets(%dma_start3A_749 : memref<200xi32, #tpu.memory_space<vmem>>) semaphore(%dma_start3A_754 : memref<!tpu.dma_semaphore, #tpu.memory_space<semaphore_mem>>)
      %add3A_755 = arith.constant 2 : i32
      %add3A_756 = arith.addi %mul3A_603, %add3A_755 : i32
      %dma_wait3A_757 = arith.constant 2 : i32
      %dma_wait3A_758 = arith.constant 2 : i32
      %dma_wait3A_759 = arith.constant 0 : i32
      %dma_wait3A_760 = arith.constant 0 : i32
      %dma_wait3A_761 = tpu.memref_slice %arg6[%dma_wait3A_757, %dma_wait3A_759, %dma_wait3A_760] : memref<4x200x64xf32, #tpu.memory_space<vmem>> -> memref<1x200x64xf32, #tpu.memory_space<vmem>>
      %dma_wait3A_762 = tpu.memref_squeeze %dma_wait3A_761 : memref<1x200x64xf32, #tpu.memory_space<vmem>> -> memref<200x64xf32, #tpu.memory_space<vmem>>
      %dma_wait3A_763 = arith.constant 0 : i32
      %dma_wait3A_764 = tpu.memref_slice %arg5[%add3A_756, %dma_wait3A_763] : memref<128x200xi32, #tpu.memory_space<vmem>> -> memref<1x200xi32, #tpu.memory_space<vmem>>
      %dma_wait3A_765 = tpu.memref_squeeze %dma_wait3A_764 : memref<1x200xi32, #tpu.memory_space<vmem>> -> memref<200xi32, #tpu.memory_space<vmem>>
      %dma_wait3A_766 = arith.constant 0 : i32
      %dma_wait3A_767 = arith.constant 0 : i32
      %dma_wait3A_768 = tpu.memref_slice %arg2[%dma_wait3A_766, %dma_wait3A_767] : memref<1000000x64xf32, #tpu.memory_space<hbm>> -> memref<1000000x64xf32, #tpu.memory_space<hbm>>
      %dma_wait3A_769 = tpu.memref_slice %arg7[%dma_wait3A_758] : memref<4x!tpu.dma_semaphore, #tpu.memory_space<semaphore_mem>> -> memref<1x!tpu.dma_semaphore, #tpu.memory_space<semaphore_mem>>
      %dma_wait3A_770 = tpu.memref_squeeze %dma_wait3A_769 : memref<1x!tpu.dma_semaphore, #tpu.memory_space<semaphore_mem>> -> memref<!tpu.dma_semaphore, #tpu.memory_space<semaphore_mem>>
      tpu.wait_indirect_dma semaphore(%dma_wait3A_770 : memref<!tpu.dma_semaphore, #tpu.memory_space<semaphore_mem>>) src(%dma_wait3A_768 : memref<1000000x64xf32, #tpu.memory_space<hbm>>) dst(%dma_wait3A_762 : memref<200x64xf32, #tpu.memory_space<vmem>>)
      %add3A_771 = arith.addi %mul3A_2, %add3A_756 : i32
      %dma_start3A_772 = arith.constant 2 : i32
      %dma_start3A_773 = arith.constant 2 : i32
      %dma_start3A_774 = arith.constant 0 : i32
      %dma_start3A_775 = arith.constant 0 : i32
      %dma_start3A_776 = tpu.memref_slice %arg6[%dma_start3A_772, %dma_start3A_774, %dma_start3A_775] : memref<4x200x64xf32, #tpu.memory_space<vmem>> -> memref<1x200x64xf32, #tpu.memory_space<vmem>>
      %dma_start3A_777 = tpu.memref_squeeze %dma_start3A_776 : memref<1x200x64xf32, #tpu.memory_space<vmem>> -> memref<200x64xf32, #tpu.memory_space<vmem>>
      %dma_start3A_778 = arith.constant 0 : i32
      %dma_start3A_779 = arith.constant 0 : i32
      %dma_start3A_780 = tpu.memref_slice %arg4[%add3A_771, %dma_start3A_778, %dma_start3A_779] : memref<4096x200x128xf32, #tpu.memory_space<hbm>> -> memref<1x200x64xf32, #tpu.memory_space<hbm>>
      %dma_start3A_781 = tpu.memref_squeeze %dma_start3A_780 : memref<1x200x64xf32, #tpu.memory_space<hbm>> -> memref<200x64xf32, #tpu.memory_space<hbm>>
      %dma_start3A_782 = tpu.memref_slice %arg8[%dma_start3A_773] : memref<4x!tpu.dma_semaphore, #tpu.memory_space<semaphore_mem>> -> memref<1x!tpu.dma_semaphore, #tpu.memory_space<semaphore_mem>>
      %dma_start3A_783 = tpu.memref_squeeze %dma_start3A_782 : memref<1x!tpu.dma_semaphore, #tpu.memory_space<semaphore_mem>> -> memref<!tpu.dma_semaphore, #tpu.memory_space<semaphore_mem>>
      %dma_start3A_784 = arith.constant 0 : i32
      %dma_start3A_785 = arith.constant 0 : i32
      %dma_start3A_786 = tpu.memref_slice %arg4[%add3A_771, %dma_start3A_784, %dma_start3A_785] : memref<4096x200x128xf32, #tpu.memory_space<hbm>> -> memref<1x200x64xf32, #tpu.memory_space<hbm>>
      %dma_start3A_787 = tpu.memref_squeeze %dma_start3A_786 : memref<1x200x64xf32, #tpu.memory_space<hbm>> -> memref<200x64xf32, #tpu.memory_space<hbm>>
      %dma_start3A_788 = arith.constant 0 : i32
      %dma_start3A_789 = arith.constant 0 : i32
      %dma_start3A_790 = tpu.memref_slice %arg6[%dma_start3A_772, %dma_start3A_788, %dma_start3A_789] : memref<4x200x64xf32, #tpu.memory_space<vmem>> -> memref<1x200x64xf32, #tpu.memory_space<vmem>>
      %dma_start3A_791 = tpu.memref_squeeze %dma_start3A_790 : memref<1x200x64xf32, #tpu.memory_space<vmem>> -> memref<200x64xf32, #tpu.memory_space<vmem>>
      tpu.enqueue_dma source(%dma_start3A_791 : memref<200x64xf32, #tpu.memory_space<vmem>>) target(%dma_start3A_787 : memref<200x64xf32, #tpu.memory_space<hbm>>) target_semaphore(%dma_start3A_783 : memref<!tpu.dma_semaphore, #tpu.memory_space<semaphore_mem>>)
      %sub3A_792 = arith.constant 1 : i32
      %sub3A_793 = arith.subi %add3A_756, %sub3A_792 : i32
      %add3A_794 = arith.addi %mul3A_2, %sub3A_793 : i32
      %dma_wait3A_795 = arith.constant 1 : i32
      %dma_wait3A_796 = arith.constant 1 : i32
      %dma_wait3A_797 = arith.constant 0 : i32
      %dma_wait3A_798 = arith.constant 0 : i32
      %dma_wait3A_799 = tpu.memref_slice %arg6[%dma_wait3A_795, %dma_wait3A_797, %dma_wait3A_798] : memref<4x200x64xf32, #tpu.memory_space<vmem>> -> memref<1x200x64xf32, #tpu.memory_space<vmem>>
      %dma_wait3A_800 = tpu.memref_squeeze %dma_wait3A_799 : memref<1x200x64xf32, #tpu.memory_space<vmem>> -> memref<200x64xf32, #tpu.memory_space<vmem>>
      %dma_wait3A_801 = arith.constant 0 : i32
      %dma_wait3A_802 = arith.constant 0 : i32
      %dma_wait3A_803 = tpu.memref_slice %arg4[%add3A_794, %dma_wait3A_801, %dma_wait3A_802] : memref<4096x200x128xf32, #tpu.memory_space<hbm>> -> memref<1x200x64xf32, #tpu.memory_space<hbm>>
      %dma_wait3A_804 = tpu.memref_squeeze %dma_wait3A_803 : memref<1x200x64xf32, #tpu.memory_space<hbm>> -> memref<200x64xf32, #tpu.memory_space<hbm>>
      %dma_wait3A_805 = tpu.memref_slice %arg8[%dma_wait3A_796] : memref<4x!tpu.dma_semaphore, #tpu.memory_space<semaphore_mem>> -> memref<1x!tpu.dma_semaphore, #tpu.memory_space<semaphore_mem>>
      %dma_wait3A_806 = tpu.memref_squeeze %dma_wait3A_805 : memref<1x!tpu.dma_semaphore, #tpu.memory_space<semaphore_mem>> -> memref<!tpu.dma_semaphore, #tpu.memory_space<semaphore_mem>>
      %dma_wait3A_807 = arith.constant 0 : i32
      %dma_wait3A_808 = arith.constant 0 : i32
      %dma_wait3A_809 = tpu.memref_slice %arg4[%add3A_794, %dma_wait3A_807, %dma_wait3A_808] : memref<4096x200x128xf32, #tpu.memory_space<hbm>> -> memref<1x200x64xf32, #tpu.memory_space<hbm>>
      %dma_wait3A_810 = tpu.memref_squeeze %dma_wait3A_809 : memref<1x200x64xf32, #tpu.memory_space<hbm>> -> memref<200x64xf32, #tpu.memory_space<hbm>>
      %dma_wait3A_811 = arith.constant 0 : i32
      %dma_wait3A_812 = arith.constant 0 : i32
      %dma_wait3A_813 = tpu.memref_slice %arg6[%dma_wait3A_795, %dma_wait3A_811, %dma_wait3A_812] : memref<4x200x64xf32, #tpu.memory_space<vmem>> -> memref<1x200x64xf32, #tpu.memory_space<vmem>>
      %dma_wait3A_814 = tpu.memref_squeeze %dma_wait3A_813 : memref<1x200x64xf32, #tpu.memory_space<vmem>> -> memref<200x64xf32, #tpu.memory_space<vmem>>
      tpu.wait_dma2 semaphore(%dma_wait3A_806 : memref<!tpu.dma_semaphore, #tpu.memory_space<semaphore_mem>>) src(%dma_wait3A_814 : memref<200x64xf32, #tpu.memory_space<vmem>>) dst(%dma_wait3A_810 : memref<200x64xf32, #tpu.memory_space<hbm>>)
      %add3A_815 = arith.constant 3 : i32
      %add3A_816 = arith.addi %add3A_756, %add3A_815 : i32
      %dma_start3A_817 = arith.constant 1 : i32
      %dma_start3A_818 = arith.constant 1 : i32
      %dma_start3A_819 = arith.constant 0 : i32
      %dma_start3A_820 = arith.constant 0 : i32
      %dma_start3A_821 = tpu.memref_slice %arg6[%dma_start3A_817, %dma_start3A_819, %dma_start3A_820] : memref<4x200x64xf32, #tpu.memory_space<vmem>> -> memref<1x200x64xf32, #tpu.memory_space<vmem>>
      %dma_start3A_822 = tpu.memref_squeeze %dma_start3A_821 : memref<1x200x64xf32, #tpu.memory_space<vmem>> -> memref<200x64xf32, #tpu.memory_space<vmem>>
      %dma_start3A_823 = arith.constant 0 : i32
      %dma_start3A_824 = tpu.memref_slice %arg5[%add3A_816, %dma_start3A_823] : memref<128x200xi32, #tpu.memory_space<vmem>> -> memref<1x200xi32, #tpu.memory_space<vmem>>
      %dma_start3A_825 = tpu.memref_squeeze %dma_start3A_824 : memref<1x200xi32, #tpu.memory_space<vmem>> -> memref<200xi32, #tpu.memory_space<vmem>>
      %dma_start3A_826 = arith.constant 0 : i32
      %dma_start3A_827 = arith.constant 0 : i32
      %dma_start3A_828 = tpu.memref_slice %arg2[%dma_start3A_826, %dma_start3A_827] : memref<1000000x64xf32, #tpu.memory_space<hbm>> -> memref<1000000x64xf32, #tpu.memory_space<hbm>>
      %dma_start3A_829 = tpu.memref_slice %arg7[%dma_start3A_818] : memref<4x!tpu.dma_semaphore, #tpu.memory_space<semaphore_mem>> -> memref<1x!tpu.dma_semaphore, #tpu.memory_space<semaphore_mem>>
      %dma_start3A_830 = tpu.memref_squeeze %dma_start3A_829 : memref<1x!tpu.dma_semaphore, #tpu.memory_space<semaphore_mem>> -> memref<!tpu.dma_semaphore, #tpu.memory_space<semaphore_mem>>
      tpu.enqueue_indirect_dma source(%dma_start3A_828 : memref<1000000x64xf32, #tpu.memory_space<hbm>>) target(%dma_start3A_822 : memref<200x64xf32, #tpu.memory_space<vmem>>) offsets(%dma_start3A_825 : memref<200xi32, #tpu.memory_space<vmem>>) semaphore(%dma_start3A_830 : memref<!tpu.dma_semaphore, #tpu.memory_space<semaphore_mem>>)
      %add3A_831 = arith.constant 3 : i32
      %add3A_832 = arith.addi %mul3A_603, %add3A_831 : i32
      %dma_wait3A_833 = arith.constant 3 : i32
      %dma_wait3A_834 = arith.constant 3 : i32
      %dma_wait3A_835 = arith.constant 0 : i32
      %dma_wait3A_836 = arith.constant 0 : i32
      %dma_wait3A_837 = tpu.memref_slice %arg6[%dma_wait3A_833, %dma_wait3A_835, %dma_wait3A_836] : memref<4x200x64xf32, #tpu.memory_space<vmem>> -> memref<1x200x64xf32, #tpu.memory_space<vmem>>
      %dma_wait3A_838 = tpu.memref_squeeze %dma_wait3A_837 : memref<1x200x64xf32, #tpu.memory_space<vmem>> -> memref<200x64xf32, #tpu.memory_space<vmem>>
      %dma_wait3A_839 = arith.constant 0 : i32
      %dma_wait3A_840 = tpu.memref_slice %arg5[%add3A_832, %dma_wait3A_839] : memref<128x200xi32, #tpu.memory_space<vmem>> -> memref<1x200xi32, #tpu.memory_space<vmem>>
      %dma_wait3A_841 = tpu.memref_squeeze %dma_wait3A_840 : memref<1x200xi32, #tpu.memory_space<vmem>> -> memref<200xi32, #tpu.memory_space<vmem>>
      %dma_wait3A_842 = arith.constant 0 : i32
      %dma_wait3A_843 = arith.constant 0 : i32
      %dma_wait3A_844 = tpu.memref_slice %arg2[%dma_wait3A_842, %dma_wait3A_843] : memref<1000000x64xf32, #tpu.memory_space<hbm>> -> memref<1000000x64xf32, #tpu.memory_space<hbm>>
      %dma_wait3A_845 = tpu.memref_slice %arg7[%dma_wait3A_834] : memref<4x!tpu.dma_semaphore, #tpu.memory_space<semaphore_mem>> -> memref<1x!tpu.dma_semaphore, #tpu.memory_space<semaphore_mem>>
      %dma_wait3A_846 = tpu.memref_squeeze %dma_wait3A_845 : memref<1x!tpu.dma_semaphore, #tpu.memory_space<semaphore_mem>> -> memref<!tpu.dma_semaphore, #tpu.memory_space<semaphore_mem>>
      tpu.wait_indirect_dma semaphore(%dma_wait3A_846 : memref<!tpu.dma_semaphore, #tpu.memory_space<semaphore_mem>>) src(%dma_wait3A_844 : memref<1000000x64xf32, #tpu.memory_space<hbm>>) dst(%dma_wait3A_838 : memref<200x64xf32, #tpu.memory_space<vmem>>)
      %add3A_847 = arith.addi %mul3A_2, %add3A_832 : i32
      %dma_start3A_848 = arith.constant 3 : i32
      %dma_start3A_849 = arith.constant 3 : i32
      %dma_start3A_850 = arith.constant 0 : i32
      %dma_start3A_851 = arith.constant 0 : i32
      %dma_start3A_852 = tpu.memref_slice %arg6[%dma_start3A_848, %dma_start3A_850, %dma_start3A_851] : memref<4x200x64xf32, #tpu.memory_space<vmem>> -> memref<1x200x64xf32, #tpu.memory_space<vmem>>
      %dma_start3A_853 = tpu.memref_squeeze %dma_start3A_852 : memref<1x200x64xf32, #tpu.memory_space<vmem>> -> memref<200x64xf32, #tpu.memory_space<vmem>>
      %dma_start3A_854 = arith.constant 0 : i32
      %dma_start3A_855 = arith.constant 0 : i32
      %dma_start3A_856 = tpu.memref_slice %arg4[%add3A_847, %dma_start3A_854, %dma_start3A_855] : memref<4096x200x128xf32, #tpu.memory_space<hbm>> -> memref<1x200x64xf32, #tpu.memory_space<hbm>>
      %dma_start3A_857 = tpu.memref_squeeze %dma_start3A_856 : memref<1x200x64xf32, #tpu.memory_space<hbm>> -> memref<200x64xf32, #tpu.memory_space<hbm>>
      %dma_start3A_858 = tpu.memref_slice %arg8[%dma_start3A_849] : memref<4x!tpu.dma_semaphore, #tpu.memory_space<semaphore_mem>> -> memref<1x!tpu.dma_semaphore, #tpu.memory_space<semaphore_mem>>
      %dma_start3A_859 = tpu.memref_squeeze %dma_start3A_858 : memref<1x!tpu.dma_semaphore, #tpu.memory_space<semaphore_mem>> -> memref<!tpu.dma_semaphore, #tpu.memory_space<semaphore_mem>>
      %dma_start3A_860 = arith.constant 0 : i32
      %dma_start3A_861 = arith.constant 0 : i32
      %dma_start3A_862 = tpu.memref_slice %arg4[%add3A_847, %dma_start3A_860, %dma_start3A_861] : memref<4096x200x128xf32, #tpu.memory_space<hbm>> -> memref<1x200x64xf32, #tpu.memory_space<hbm>>
      %dma_start3A_863 = tpu.memref_squeeze %dma_start3A_862 : memref<1x200x64xf32, #tpu.memory_space<hbm>> -> memref<200x64xf32, #tpu.memory_space<hbm>>
      %dma_start3A_864 = arith.constant 0 : i32
      %dma_start3A_865 = arith.constant 0 : i32
      %dma_start3A_866 = tpu.memref_slice %arg6[%dma_start3A_848, %dma_start3A_864, %dma_start3A_865] : memref<4x200x64xf32, #tpu.memory_space<vmem>> -> memref<1x200x64xf32, #tpu.memory_space<vmem>>
      %dma_start3A_867 = tpu.memref_squeeze %dma_start3A_866 : memref<1x200x64xf32, #tpu.memory_space<vmem>> -> memref<200x64xf32, #tpu.memory_space<vmem>>
      tpu.enqueue_dma source(%dma_start3A_867 : memref<200x64xf32, #tpu.memory_space<vmem>>) target(%dma_start3A_863 : memref<200x64xf32, #tpu.memory_space<hbm>>) target_semaphore(%dma_start3A_859 : memref<!tpu.dma_semaphore, #tpu.memory_space<semaphore_mem>>)
      %sub3A_868 = arith.constant 1 : i32
      %sub3A_869 = arith.subi %add3A_832, %sub3A_868 : i32
      %add3A_870 = arith.addi %mul3A_2, %sub3A_869 : i32
      %dma_wait3A_871 = arith.constant 2 : i32
      %dma_wait3A_872 = arith.constant 2 : i32
      %dma_wait3A_873 = arith.constant 0 : i32
      %dma_wait3A_874 = arith.constant 0 : i32
      %dma_wait3A_875 = tpu.memref_slice %arg6[%dma_wait3A_871, %dma_wait3A_873, %dma_wait3A_874] : memref<4x200x64xf32, #tpu.memory_space<vmem>> -> memref<1x200x64xf32, #tpu.memory_space<vmem>>
      %dma_wait3A_876 = tpu.memref_squeeze %dma_wait3A_875 : memref<1x200x64xf32, #tpu.memory_space<vmem>> -> memref<200x64xf32, #tpu.memory_space<vmem>>
      %dma_wait3A_877 = arith.constant 0 : i32
      %dma_wait3A_878 = arith.constant 0 : i32
      %dma_wait3A_879 = tpu.memref_slice %arg4[%add3A_870, %dma_wait3A_877, %dma_wait3A_878] : memref<4096x200x128xf32, #tpu.memory_space<hbm>> -> memref<1x200x64xf32, #tpu.memory_space<hbm>>
      %dma_wait3A_880 = tpu.memref_squeeze %dma_wait3A_879 : memref<1x200x64xf32, #tpu.memory_space<hbm>> -> memref<200x64xf32, #tpu.memory_space<hbm>>
      %dma_wait3A_881 = tpu.memref_slice %arg8[%dma_wait3A_872] : memref<4x!tpu.dma_semaphore, #tpu.memory_space<semaphore_mem>> -> memref<1x!tpu.dma_semaphore, #tpu.memory_space<semaphore_mem>>
      %dma_wait3A_882 = tpu.memref_squeeze %dma_wait3A_881 : memref<1x!tpu.dma_semaphore, #tpu.memory_space<semaphore_mem>> -> memref<!tpu.dma_semaphore, #tpu.memory_space<semaphore_mem>>
      %dma_wait3A_883 = arith.constant 0 : i32
      %dma_wait3A_884 = arith.constant 0 : i32
      %dma_wait3A_885 = tpu.memref_slice %arg4[%add3A_870, %dma_wait3A_883, %dma_wait3A_884] : memref<4096x200x128xf32, #tpu.memory_space<hbm>> -> memref<1x200x64xf32, #tpu.memory_space<hbm>>
      %dma_wait3A_886 = tpu.memref_squeeze %dma_wait3A_885 : memref<1x200x64xf32, #tpu.memory_space<hbm>> -> memref<200x64xf32, #tpu.memory_space<hbm>>
      %dma_wait3A_887 = arith.constant 0 : i32
      %dma_wait3A_888 = arith.constant 0 : i32
      %dma_wait3A_889 = tpu.memref_slice %arg6[%dma_wait3A_871, %dma_wait3A_887, %dma_wait3A_888] : memref<4x200x64xf32, #tpu.memory_space<vmem>> -> memref<1x200x64xf32, #tpu.memory_space<vmem>>
      %dma_wait3A_890 = tpu.memref_squeeze %dma_wait3A_889 : memref<1x200x64xf32, #tpu.memory_space<vmem>> -> memref<200x64xf32, #tpu.memory_space<vmem>>
      tpu.wait_dma2 semaphore(%dma_wait3A_882 : memref<!tpu.dma_semaphore, #tpu.memory_space<semaphore_mem>>) src(%dma_wait3A_890 : memref<200x64xf32, #tpu.memory_space<vmem>>) dst(%dma_wait3A_886 : memref<200x64xf32, #tpu.memory_space<hbm>>)
      %add3A_891 = arith.constant 3 : i32
      %add3A_892 = arith.addi %add3A_832, %add3A_891 : i32
      %dma_start3A_893 = arith.constant 2 : i32
      %dma_start3A_894 = arith.constant 2 : i32
      %dma_start3A_895 = arith.constant 0 : i32
      %dma_start3A_896 = arith.constant 0 : i32
      %dma_start3A_897 = tpu.memref_slice %arg6[%dma_start3A_893, %dma_start3A_895, %dma_start3A_896] : memref<4x200x64xf32, #tpu.memory_space<vmem>> -> memref<1x200x64xf32, #tpu.memory_space<vmem>>
      %dma_start3A_898 = tpu.memref_squeeze %dma_start3A_897 : memref<1x200x64xf32, #tpu.memory_space<vmem>> -> memref<200x64xf32, #tpu.memory_space<vmem>>
      %dma_start3A_899 = arith.constant 0 : i32
      %dma_start3A_900 = tpu.memref_slice %arg5[%add3A_892, %dma_start3A_899] : memref<128x200xi32, #tpu.memory_space<vmem>> -> memref<1x200xi32, #tpu.memory_space<vmem>>
      %dma_start3A_901 = tpu.memref_squeeze %dma_start3A_900 : memref<1x200xi32, #tpu.memory_space<vmem>> -> memref<200xi32, #tpu.memory_space<vmem>>
      %dma_start3A_902 = arith.constant 0 : i32
      %dma_start3A_903 = arith.constant 0 : i32
      %dma_start3A_904 = tpu.memref_slice %arg2[%dma_start3A_902, %dma_start3A_903] : memref<1000000x64xf32, #tpu.memory_space<hbm>> -> memref<1000000x64xf32, #tpu.memory_space<hbm>>
      %dma_start3A_905 = tpu.memref_slice %arg7[%dma_start3A_894] : memref<4x!tpu.dma_semaphore, #tpu.memory_space<semaphore_mem>> -> memref<1x!tpu.dma_semaphore, #tpu.memory_space<semaphore_mem>>
      %dma_start3A_906 = tpu.memref_squeeze %dma_start3A_905 : memref<1x!tpu.dma_semaphore, #tpu.memory_space<semaphore_mem>> -> memref<!tpu.dma_semaphore, #tpu.memory_space<semaphore_mem>>
      tpu.enqueue_indirect_dma source(%dma_start3A_904 : memref<1000000x64xf32, #tpu.memory_space<hbm>>) target(%dma_start3A_898 : memref<200x64xf32, #tpu.memory_space<vmem>>) offsets(%dma_start3A_901 : memref<200xi32, #tpu.memory_space<vmem>>) semaphore(%dma_start3A_906 : memref<!tpu.dma_semaphore, #tpu.memory_space<semaphore_mem>>)
    }
    %scan3A_323 = arith.constant 30 : i32
    %dma_wait3A_324 = arith.constant 124 : i32
    %dma_wait3A_325 = arith.constant 0 : i32
    %dma_wait3A_326 = arith.constant 0 : i32
    %dma_wait3A_327 = arith.constant 0 : i32
    %dma_wait3A_328 = arith.constant 0 : i32
    %dma_wait3A_329 = tpu.memref_slice %arg6[%dma_wait3A_325, %dma_wait3A_327, %dma_wait3A_328] : memref<4x200x64xf32, #tpu.memory_space<vmem>> -> memref<1x200x64xf32, #tpu.memory_space<vmem>>
    %dma_wait3A_330 = tpu.memref_squeeze %dma_wait3A_329 : memref<1x200x64xf32, #tpu.memory_space<vmem>> -> memref<200x64xf32, #tpu.memory_space<vmem>>
    %dma_wait3A_331 = arith.constant 0 : i32
    %dma_wait3A_332 = tpu.memref_slice %arg5[%dma_wait3A_324, %dma_wait3A_331] : memref<128x200xi32, #tpu.memory_space<vmem>> -> memref<1x200xi32, #tpu.memory_space<vmem>>
    %dma_wait3A_333 = tpu.memref_squeeze %dma_wait3A_332 : memref<1x200xi32, #tpu.memory_space<vmem>> -> memref<200xi32, #tpu.memory_space<vmem>>
    %dma_wait3A_334 = arith.constant 0 : i32
    %dma_wait3A_335 = arith.constant 0 : i32
    %dma_wait3A_336 = tpu.memref_slice %arg2[%dma_wait3A_334, %dma_wait3A_335] : memref<1000000x64xf32, #tpu.memory_space<hbm>> -> memref<1000000x64xf32, #tpu.memory_space<hbm>>
    %dma_wait3A_337 = tpu.memref_slice %arg7[%dma_wait3A_326] : memref<4x!tpu.dma_semaphore, #tpu.memory_space<semaphore_mem>> -> memref<1x!tpu.dma_semaphore, #tpu.memory_space<semaphore_mem>>
    %dma_wait3A_338 = tpu.memref_squeeze %dma_wait3A_337 : memref<1x!tpu.dma_semaphore, #tpu.memory_space<semaphore_mem>> -> memref<!tpu.dma_semaphore, #tpu.memory_space<semaphore_mem>>
    tpu.wait_indirect_dma semaphore(%dma_wait3A_338 : memref<!tpu.dma_semaphore, #tpu.memory_space<semaphore_mem>>) src(%dma_wait3A_336 : memref<1000000x64xf32, #tpu.memory_space<hbm>>) dst(%dma_wait3A_330 : memref<200x64xf32, #tpu.memory_space<vmem>>)
    %add3A_339 = arith.constant 124 : i32
    %add3A_340 = arith.addi %mul3A_2, %add3A_339 : i32
    %dma_start3A_341 = arith.constant 0 : i32
    %dma_start3A_342 = arith.constant 0 : i32
    %dma_start3A_343 = arith.constant 0 : i32
    %dma_start3A_344 = arith.constant 0 : i32
    %dma_start3A_345 = tpu.memref_slice %arg6[%dma_start3A_341, %dma_start3A_343, %dma_start3A_344] : memref<4x200x64xf32, #tpu.memory_space<vmem>> -> memref<1x200x64xf32, #tpu.memory_space<vmem>>
    %dma_start3A_346 = tpu.memref_squeeze %dma_start3A_345 : memref<1x200x64xf32, #tpu.memory_space<vmem>> -> memref<200x64xf32, #tpu.memory_space<vmem>>
    %dma_start3A_347 = arith.constant 0 : i32
    %dma_start3A_348 = arith.constant 0 : i32
    %dma_start3A_349 = tpu.memref_slice %arg4[%add3A_340, %dma_start3A_347, %dma_start3A_348] : memref<4096x200x128xf32, #tpu.memory_space<hbm>> -> memref<1x200x64xf32, #tpu.memory_space<hbm>>
    %dma_start3A_350 = tpu.memref_squeeze %dma_start3A_349 : memref<1x200x64xf32, #tpu.memory_space<hbm>> -> memref<200x64xf32, #tpu.memory_space<hbm>>
    %dma_start3A_351 = tpu.memref_slice %arg8[%dma_start3A_342] : memref<4x!tpu.dma_semaphore, #tpu.memory_space<semaphore_mem>> -> memref<1x!tpu.dma_semaphore, #tpu.memory_space<semaphore_mem>>
    %dma_start3A_352 = tpu.memref_squeeze %dma_start3A_351 : memref<1x!tpu.dma_semaphore, #tpu.memory_space<semaphore_mem>> -> memref<!tpu.dma_semaphore, #tpu.memory_space<semaphore_mem>>
    %dma_start3A_353 = arith.constant 0 : i32
    %dma_start3A_354 = arith.constant 0 : i32
    %dma_start3A_355 = tpu.memref_slice %arg4[%add3A_340, %dma_start3A_353, %dma_start3A_354] : memref<4096x200x128xf32, #tpu.memory_space<hbm>> -> memref<1x200x64xf32, #tpu.memory_space<hbm>>
    %dma_start3A_356 = tpu.memref_squeeze %dma_start3A_355 : memref<1x200x64xf32, #tpu.memory_space<hbm>> -> memref<200x64xf32, #tpu.memory_space<hbm>>
    %dma_start3A_357 = arith.constant 0 : i32
    %dma_start3A_358 = arith.constant 0 : i32
    %dma_start3A_359 = tpu.memref_slice %arg6[%dma_start3A_341, %dma_start3A_357, %dma_start3A_358] : memref<4x200x64xf32, #tpu.memory_space<vmem>> -> memref<1x200x64xf32, #tpu.memory_space<vmem>>
    %dma_start3A_360 = tpu.memref_squeeze %dma_start3A_359 : memref<1x200x64xf32, #tpu.memory_space<vmem>> -> memref<200x64xf32, #tpu.memory_space<vmem>>
    tpu.enqueue_dma source(%dma_start3A_360 : memref<200x64xf32, #tpu.memory_space<vmem>>) target(%dma_start3A_356 : memref<200x64xf32, #tpu.memory_space<hbm>>) target_semaphore(%dma_start3A_352 : memref<!tpu.dma_semaphore, #tpu.memory_space<semaphore_mem>>)
    %add3A_361 = arith.constant 123 : i32
    %add3A_362 = arith.addi %mul3A_2, %add3A_361 : i32
    %dma_wait3A_363 = arith.constant 3 : i32
    %dma_wait3A_364 = arith.constant 3 : i32
    %dma_wait3A_365 = arith.constant 0 : i32
    %dma_wait3A_366 = arith.constant 0 : i32
    %dma_wait3A_367 = tpu.memref_slice %arg6[%dma_wait3A_363, %dma_wait3A_365, %dma_wait3A_366] : memref<4x200x64xf32, #tpu.memory_space<vmem>> -> memref<1x200x64xf32, #tpu.memory_space<vmem>>
    %dma_wait3A_368 = tpu.memref_squeeze %dma_wait3A_367 : memref<1x200x64xf32, #tpu.memory_space<vmem>> -> memref<200x64xf32, #tpu.memory_space<vmem>>
    %dma_wait3A_369 = arith.constant 0 : i32
    %dma_wait3A_370 = arith.constant 0 : i32
    %dma_wait3A_371 = tpu.memref_slice %arg4[%add3A_362, %dma_wait3A_369, %dma_wait3A_370] : memref<4096x200x128xf32, #tpu.memory_space<hbm>> -> memref<1x200x64xf32, #tpu.memory_space<hbm>>
    %dma_wait3A_372 = tpu.memref_squeeze %dma_wait3A_371 : memref<1x200x64xf32, #tpu.memory_space<hbm>> -> memref<200x64xf32, #tpu.memory_space<hbm>>
    %dma_wait3A_373 = tpu.memref_slice %arg8[%dma_wait3A_364] : memref<4x!tpu.dma_semaphore, #tpu.memory_space<semaphore_mem>> -> memref<1x!tpu.dma_semaphore, #tpu.memory_space<semaphore_mem>>
    %dma_wait3A_374 = tpu.memref_squeeze %dma_wait3A_373 : memref<1x!tpu.dma_semaphore, #tpu.memory_space<semaphore_mem>> -> memref<!tpu.dma_semaphore, #tpu.memory_space<semaphore_mem>>
    %dma_wait3A_375 = arith.constant 0 : i32
    %dma_wait3A_376 = arith.constant 0 : i32
    %dma_wait3A_377 = tpu.memref_slice %arg4[%add3A_362, %dma_wait3A_375, %dma_wait3A_376] : memref<4096x200x128xf32, #tpu.memory_space<hbm>> -> memref<1x200x64xf32, #tpu.memory_space<hbm>>
    %dma_wait3A_378 = tpu.memref_squeeze %dma_wait3A_377 : memref<1x200x64xf32, #tpu.memory_space<hbm>> -> memref<200x64xf32, #tpu.memory_space<hbm>>
    %dma_wait3A_379 = arith.constant 0 : i32
    %dma_wait3A_380 = arith.constant 0 : i32
    %dma_wait3A_381 = tpu.memref_slice %arg6[%dma_wait3A_363, %dma_wait3A_379, %dma_wait3A_380] : memref<4x200x64xf32, #tpu.memory_space<vmem>> -> memref<1x200x64xf32, #tpu.memory_space<vmem>>
    %dma_wait3A_382 = tpu.memref_squeeze %dma_wait3A_381 : memref<1x200x64xf32, #tpu.memory_space<vmem>> -> memref<200x64xf32, #tpu.memory_space<vmem>>
    tpu.wait_dma2 semaphore(%dma_wait3A_374 : memref<!tpu.dma_semaphore, #tpu.memory_space<semaphore_mem>>) src(%dma_wait3A_382 : memref<200x64xf32, #tpu.memory_space<vmem>>) dst(%dma_wait3A_378 : memref<200x64xf32, #tpu.memory_space<hbm>>)
    %dma_start3A_383 = arith.constant 127 : i32
    %dma_start3A_384 = arith.constant 3 : i32
    %dma_start3A_385 = arith.constant 3 : i32
    %dma_start3A_386 = arith.constant 0 : i32
    %dma_start3A_387 = arith.constant 0 : i32
    %dma_start3A_388 = tpu.memref_slice %arg6[%dma_start3A_384, %dma_start3A_386, %dma_start3A_387] : memref<4x200x64xf32, #tpu.memory_space<vmem>> -> memref<1x200x64xf32, #tpu.memory_space<vmem>>
    %dma_start3A_389 = tpu.memref_squeeze %dma_start3A_388 : memref<1x200x64xf32, #tpu.memory_space<vmem>> -> memref<200x64xf32, #tpu.memory_space<vmem>>
    %dma_start3A_390 = arith.constant 0 : i32
    %dma_start3A_391 = tpu.memref_slice %arg5[%dma_start3A_383, %dma_start3A_390] : memref<128x200xi32, #tpu.memory_space<vmem>> -> memref<1x200xi32, #tpu.memory_space<vmem>>
    %dma_start3A_392 = tpu.memref_squeeze %dma_start3A_391 : memref<1x200xi32, #tpu.memory_space<vmem>> -> memref<200xi32, #tpu.memory_space<vmem>>
    %dma_start3A_393 = arith.constant 0 : i32
    %dma_start3A_394 = arith.constant 0 : i32
    %dma_start3A_395 = tpu.memref_slice %arg2[%dma_start3A_393, %dma_start3A_394] : memref<1000000x64xf32, #tpu.memory_space<hbm>> -> memref<1000000x64xf32, #tpu.memory_space<hbm>>
    %dma_start3A_396 = tpu.memref_slice %arg7[%dma_start3A_385] : memref<4x!tpu.dma_semaphore, #tpu.memory_space<semaphore_mem>> -> memref<1x!tpu.dma_semaphore, #tpu.memory_space<semaphore_mem>>
    %dma_start3A_397 = tpu.memref_squeeze %dma_start3A_396 : memref<1x!tpu.dma_semaphore, #tpu.memory_space<semaphore_mem>> -> memref<!tpu.dma_semaphore, #tpu.memory_space<semaphore_mem>>
    tpu.enqueue_indirect_dma source(%dma_start3A_395 : memref<1000000x64xf32, #tpu.memory_space<hbm>>) target(%dma_start3A_389 : memref<200x64xf32, #tpu.memory_space<vmem>>) offsets(%dma_start3A_392 : memref<200xi32, #tpu.memory_space<vmem>>) semaphore(%dma_start3A_397 : memref<!tpu.dma_semaphore, #tpu.memory_space<semaphore_mem>>)
    %dma_wait3A_398 = arith.constant 125 : i32
    %dma_wait3A_399 = arith.constant 1 : i32
    %dma_wait3A_400 = arith.constant 1 : i32
    %dma_wait3A_401 = arith.constant 0 : i32
    %dma_wait3A_402 = arith.constant 0 : i32
    %dma_wait3A_403 = tpu.memref_slice %arg6[%dma_wait3A_399, %dma_wait3A_401, %dma_wait3A_402] : memref<4x200x64xf32, #tpu.memory_space<vmem>> -> memref<1x200x64xf32, #tpu.memory_space<vmem>>
    %dma_wait3A_404 = tpu.memref_squeeze %dma_wait3A_403 : memref<1x200x64xf32, #tpu.memory_space<vmem>> -> memref<200x64xf32, #tpu.memory_space<vmem>>
    %dma_wait3A_405 = arith.constant 0 : i32
    %dma_wait3A_406 = tpu.memref_slice %arg5[%dma_wait3A_398, %dma_wait3A_405] : memref<128x200xi32, #tpu.memory_space<vmem>> -> memref<1x200xi32, #tpu.memory_space<vmem>>
    %dma_wait3A_407 = tpu.memref_squeeze %dma_wait3A_406 : memref<1x200xi32, #tpu.memory_space<vmem>> -> memref<200xi32, #tpu.memory_space<vmem>>
    %dma_wait3A_408 = arith.constant 0 : i32
    %dma_wait3A_409 = arith.constant 0 : i32
    %dma_wait3A_410 = tpu.memref_slice %arg2[%dma_wait3A_408, %dma_wait3A_409] : memref<1000000x64xf32, #tpu.memory_space<hbm>> -> memref<1000000x64xf32, #tpu.memory_space<hbm>>
    %dma_wait3A_411 = tpu.memref_slice %arg7[%dma_wait3A_400] : memref<4x!tpu.dma_semaphore, #tpu.memory_space<semaphore_mem>> -> memref<1x!tpu.dma_semaphore, #tpu.memory_space<semaphore_mem>>
    %dma_wait3A_412 = tpu.memref_squeeze %dma_wait3A_411 : memref<1x!tpu.dma_semaphore, #tpu.memory_space<semaphore_mem>> -> memref<!tpu.dma_semaphore, #tpu.memory_space<semaphore_mem>>
    tpu.wait_indirect_dma semaphore(%dma_wait3A_412 : memref<!tpu.dma_semaphore, #tpu.memory_space<semaphore_mem>>) src(%dma_wait3A_410 : memref<1000000x64xf32, #tpu.memory_space<hbm>>) dst(%dma_wait3A_404 : memref<200x64xf32, #tpu.memory_space<vmem>>)
    %add3A_413 = arith.constant 125 : i32
    %add3A_414 = arith.addi %mul3A_2, %add3A_413 : i32
    %dma_start3A_415 = arith.constant 1 : i32
    %dma_start3A_416 = arith.constant 1 : i32
    %dma_start3A_417 = arith.constant 0 : i32
    %dma_start3A_418 = arith.constant 0 : i32
    %dma_start3A_419 = tpu.memref_slice %arg6[%dma_start3A_415, %dma_start3A_417, %dma_start3A_418] : memref<4x200x64xf32, #tpu.memory_space<vmem>> -> memref<1x200x64xf32, #tpu.memory_space<vmem>>
    %dma_start3A_420 = tpu.memref_squeeze %dma_start3A_419 : memref<1x200x64xf32, #tpu.memory_space<vmem>> -> memref<200x64xf32, #tpu.memory_space<vmem>>
    %dma_start3A_421 = arith.constant 0 : i32
    %dma_start3A_422 = arith.constant 0 : i32
    %dma_start3A_423 = tpu.memref_slice %arg4[%add3A_414, %dma_start3A_421, %dma_start3A_422] : memref<4096x200x128xf32, #tpu.memory_space<hbm>> -> memref<1x200x64xf32, #tpu.memory_space<hbm>>
    %dma_start3A_424 = tpu.memref_squeeze %dma_start3A_423 : memref<1x200x64xf32, #tpu.memory_space<hbm>> -> memref<200x64xf32, #tpu.memory_space<hbm>>
    %dma_start3A_425 = tpu.memref_slice %arg8[%dma_start3A_416] : memref<4x!tpu.dma_semaphore, #tpu.memory_space<semaphore_mem>> -> memref<1x!tpu.dma_semaphore, #tpu.memory_space<semaphore_mem>>
    %dma_start3A_426 = tpu.memref_squeeze %dma_start3A_425 : memref<1x!tpu.dma_semaphore, #tpu.memory_space<semaphore_mem>> -> memref<!tpu.dma_semaphore, #tpu.memory_space<semaphore_mem>>
    %dma_start3A_427 = arith.constant 0 : i32
    %dma_start3A_428 = arith.constant 0 : i32
    %dma_start3A_429 = tpu.memref_slice %arg4[%add3A_414, %dma_start3A_427, %dma_start3A_428] : memref<4096x200x128xf32, #tpu.memory_space<hbm>> -> memref<1x200x64xf32, #tpu.memory_space<hbm>>
    %dma_start3A_430 = tpu.memref_squeeze %dma_start3A_429 : memref<1x200x64xf32, #tpu.memory_space<hbm>> -> memref<200x64xf32, #tpu.memory_space<hbm>>
    %dma_start3A_431 = arith.constant 0 : i32
    %dma_start3A_432 = arith.constant 0 : i32
    %dma_start3A_433 = tpu.memref_slice %arg6[%dma_start3A_415, %dma_start3A_431, %dma_start3A_432] : memref<4x200x64xf32, #tpu.memory_space<vmem>> -> memref<1x200x64xf32, #tpu.memory_space<vmem>>
    %dma_start3A_434 = tpu.memref_squeeze %dma_start3A_433 : memref<1x200x64xf32, #tpu.memory_space<vmem>> -> memref<200x64xf32, #tpu.memory_space<vmem>>
    tpu.enqueue_dma source(%dma_start3A_434 : memref<200x64xf32, #tpu.memory_space<vmem>>) target(%dma_start3A_430 : memref<200x64xf32, #tpu.memory_space<hbm>>) target_semaphore(%dma_start3A_426 : memref<!tpu.dma_semaphore, #tpu.memory_space<semaphore_mem>>)
    %dma_wait3A_435 = arith.constant 126 : i32
    %dma_wait3A_436 = arith.constant 2 : i32
    %dma_wait3A_437 = arith.constant 2 : i32
    %dma_wait3A_438 = arith.constant 0 : i32
    %dma_wait3A_439 = arith.constant 0 : i32
    %dma_wait3A_440 = tpu.memref_slice %arg6[%dma_wait3A_436, %dma_wait3A_438, %dma_wait3A_439] : memref<4x200x64xf32, #tpu.memory_space<vmem>> -> memref<1x200x64xf32, #tpu.memory_space<vmem>>
    %dma_wait3A_441 = tpu.memref_squeeze %dma_wait3A_440 : memref<1x200x64xf32, #tpu.memory_space<vmem>> -> memref<200x64xf32, #tpu.memory_space<vmem>>
    %dma_wait3A_442 = arith.constant 0 : i32
    %dma_wait3A_443 = tpu.memref_slice %arg5[%dma_wait3A_435, %dma_wait3A_442] : memref<128x200xi32, #tpu.memory_space<vmem>> -> memref<1x200xi32, #tpu.memory_space<vmem>>
    %dma_wait3A_444 = tpu.memref_squeeze %dma_wait3A_443 : memref<1x200xi32, #tpu.memory_space<vmem>> -> memref<200xi32, #tpu.memory_space<vmem>>
    %dma_wait3A_445 = arith.constant 0 : i32
    %dma_wait3A_446 = arith.constant 0 : i32
    %dma_wait3A_447 = tpu.memref_slice %arg2[%dma_wait3A_445, %dma_wait3A_446] : memref<1000000x64xf32, #tpu.memory_space<hbm>> -> memref<1000000x64xf32, #tpu.memory_space<hbm>>
    %dma_wait3A_448 = tpu.memref_slice %arg7[%dma_wait3A_437] : memref<4x!tpu.dma_semaphore, #tpu.memory_space<semaphore_mem>> -> memref<1x!tpu.dma_semaphore, #tpu.memory_space<semaphore_mem>>
    %dma_wait3A_449 = tpu.memref_squeeze %dma_wait3A_448 : memref<1x!tpu.dma_semaphore, #tpu.memory_space<semaphore_mem>> -> memref<!tpu.dma_semaphore, #tpu.memory_space<semaphore_mem>>
    tpu.wait_indirect_dma semaphore(%dma_wait3A_449 : memref<!tpu.dma_semaphore, #tpu.memory_space<semaphore_mem>>) src(%dma_wait3A_447 : memref<1000000x64xf32, #tpu.memory_space<hbm>>) dst(%dma_wait3A_441 : memref<200x64xf32, #tpu.memory_space<vmem>>)
    %add3A_450 = arith.constant 126 : i32
    %add3A_451 = arith.addi %mul3A_2, %add3A_450 : i32
    %dma_start3A_452 = arith.constant 2 : i32
    %dma_start3A_453 = arith.constant 2 : i32
    %dma_start3A_454 = arith.constant 0 : i32
    %dma_start3A_455 = arith.constant 0 : i32
    %dma_start3A_456 = tpu.memref_slice %arg6[%dma_start3A_452, %dma_start3A_454, %dma_start3A_455] : memref<4x200x64xf32, #tpu.memory_space<vmem>> -> memref<1x200x64xf32, #tpu.memory_space<vmem>>
    %dma_start3A_457 = tpu.memref_squeeze %dma_start3A_456 : memref<1x200x64xf32, #tpu.memory_space<vmem>> -> memref<200x64xf32, #tpu.memory_space<vmem>>
    %dma_start3A_458 = arith.constant 0 : i32
    %dma_start3A_459 = arith.constant 0 : i32
    %dma_start3A_460 = tpu.memref_slice %arg4[%add3A_451, %dma_start3A_458, %dma_start3A_459] : memref<4096x200x128xf32, #tpu.memory_space<hbm>> -> memref<1x200x64xf32, #tpu.memory_space<hbm>>
    %dma_start3A_461 = tpu.memref_squeeze %dma_start3A_460 : memref<1x200x64xf32, #tpu.memory_space<hbm>> -> memref<200x64xf32, #tpu.memory_space<hbm>>
    %dma_start3A_462 = tpu.memref_slice %arg8[%dma_start3A_453] : memref<4x!tpu.dma_semaphore, #tpu.memory_space<semaphore_mem>> -> memref<1x!tpu.dma_semaphore, #tpu.memory_space<semaphore_mem>>
    %dma_start3A_463 = tpu.memref_squeeze %dma_start3A_462 : memref<1x!tpu.dma_semaphore, #tpu.memory_space<semaphore_mem>> -> memref<!tpu.dma_semaphore, #tpu.memory_space<semaphore_mem>>
    %dma_start3A_464 = arith.constant 0 : i32
    %dma_start3A_465 = arith.constant 0 : i32
    %dma_start3A_466 = tpu.memref_slice %arg4[%add3A_451, %dma_start3A_464, %dma_start3A_465] : memref<4096x200x128xf32, #tpu.memory_space<hbm>> -> memref<1x200x64xf32, #tpu.memory_space<hbm>>
    %dma_start3A_467 = tpu.memref_squeeze %dma_start3A_466 : memref<1x200x64xf32, #tpu.memory_space<hbm>> -> memref<200x64xf32, #tpu.memory_space<hbm>>
    %dma_start3A_468 = arith.constant 0 : i32
    %dma_start3A_469 = arith.constant 0 : i32
    %dma_start3A_470 = tpu.memref_slice %arg6[%dma_start3A_452, %dma_start3A_468, %dma_start3A_469] : memref<4x200x64xf32, #tpu.memory_space<vmem>> -> memref<1x200x64xf32, #tpu.memory_space<vmem>>
    %dma_start3A_471 = tpu.memref_squeeze %dma_start3A_470 : memref<1x200x64xf32, #tpu.memory_space<vmem>> -> memref<200x64xf32, #tpu.memory_space<vmem>>
    tpu.enqueue_dma source(%dma_start3A_471 : memref<200x64xf32, #tpu.memory_space<vmem>>) target(%dma_start3A_467 : memref<200x64xf32, #tpu.memory_space<hbm>>) target_semaphore(%dma_start3A_463 : memref<!tpu.dma_semaphore, #tpu.memory_space<semaphore_mem>>)
    %dma_wait3A_472 = arith.constant 127 : i32
    %dma_wait3A_473 = arith.constant 3 : i32
    %dma_wait3A_474 = arith.constant 3 : i32
    %dma_wait3A_475 = arith.constant 0 : i32
    %dma_wait3A_476 = arith.constant 0 : i32
    %dma_wait3A_477 = tpu.memref_slice %arg6[%dma_wait3A_473, %dma_wait3A_475, %dma_wait3A_476] : memref<4x200x64xf32, #tpu.memory_space<vmem>> -> memref<1x200x64xf32, #tpu.memory_space<vmem>>
    %dma_wait3A_478 = tpu.memref_squeeze %dma_wait3A_477 : memref<1x200x64xf32, #tpu.memory_space<vmem>> -> memref<200x64xf32, #tpu.memory_space<vmem>>
    %dma_wait3A_479 = arith.constant 0 : i32
    %dma_wait3A_480 = tpu.memref_slice %arg5[%dma_wait3A_472, %dma_wait3A_479] : memref<128x200xi32, #tpu.memory_space<vmem>> -> memref<1x200xi32, #tpu.memory_space<vmem>>
    %dma_wait3A_481 = tpu.memref_squeeze %dma_wait3A_480 : memref<1x200xi32, #tpu.memory_space<vmem>> -> memref<200xi32, #tpu.memory_space<vmem>>
    %dma_wait3A_482 = arith.constant 0 : i32
    %dma_wait3A_483 = arith.constant 0 : i32
    %dma_wait3A_484 = tpu.memref_slice %arg2[%dma_wait3A_482, %dma_wait3A_483] : memref<1000000x64xf32, #tpu.memory_space<hbm>> -> memref<1000000x64xf32, #tpu.memory_space<hbm>>
    %dma_wait3A_485 = tpu.memref_slice %arg7[%dma_wait3A_474] : memref<4x!tpu.dma_semaphore, #tpu.memory_space<semaphore_mem>> -> memref<1x!tpu.dma_semaphore, #tpu.memory_space<semaphore_mem>>
    %dma_wait3A_486 = tpu.memref_squeeze %dma_wait3A_485 : memref<1x!tpu.dma_semaphore, #tpu.memory_space<semaphore_mem>> -> memref<!tpu.dma_semaphore, #tpu.memory_space<semaphore_mem>>
    tpu.wait_indirect_dma semaphore(%dma_wait3A_486 : memref<!tpu.dma_semaphore, #tpu.memory_space<semaphore_mem>>) src(%dma_wait3A_484 : memref<1000000x64xf32, #tpu.memory_space<hbm>>) dst(%dma_wait3A_478 : memref<200x64xf32, #tpu.memory_space<vmem>>)
    %add3A_487 = arith.constant 127 : i32
    %add3A_488 = arith.addi %mul3A_2, %add3A_487 : i32
    %dma_start3A_489 = arith.constant 3 : i32
    %dma_start3A_490 = arith.constant 3 : i32
    %dma_start3A_491 = arith.constant 0 : i32
    %dma_start3A_492 = arith.constant 0 : i32
    %dma_start3A_493 = tpu.memref_slice %arg6[%dma_start3A_489, %dma_start3A_491, %dma_start3A_492] : memref<4x200x64xf32, #tpu.memory_space<vmem>> -> memref<1x200x64xf32, #tpu.memory_space<vmem>>
    %dma_start3A_494 = tpu.memref_squeeze %dma_start3A_493 : memref<1x200x64xf32, #tpu.memory_space<vmem>> -> memref<200x64xf32, #tpu.memory_space<vmem>>
    %dma_start3A_495 = arith.constant 0 : i32
    %dma_start3A_496 = arith.constant 0 : i32
    %dma_start3A_497 = tpu.memref_slice %arg4[%add3A_488, %dma_start3A_495, %dma_start3A_496] : memref<4096x200x128xf32, #tpu.memory_space<hbm>> -> memref<1x200x64xf32, #tpu.memory_space<hbm>>
    %dma_start3A_498 = tpu.memref_squeeze %dma_start3A_497 : memref<1x200x64xf32, #tpu.memory_space<hbm>> -> memref<200x64xf32, #tpu.memory_space<hbm>>
    %dma_start3A_499 = tpu.memref_slice %arg8[%dma_start3A_490] : memref<4x!tpu.dma_semaphore, #tpu.memory_space<semaphore_mem>> -> memref<1x!tpu.dma_semaphore, #tpu.memory_space<semaphore_mem>>
    %dma_start3A_500 = tpu.memref_squeeze %dma_start3A_499 : memref<1x!tpu.dma_semaphore, #tpu.memory_space<semaphore_mem>> -> memref<!tpu.dma_semaphore, #tpu.memory_space<semaphore_mem>>
    %dma_start3A_501 = arith.constant 0 : i32
    %dma_start3A_502 = arith.constant 0 : i32
    %dma_start3A_503 = tpu.memref_slice %arg4[%add3A_488, %dma_start3A_501, %dma_start3A_502] : memref<4096x200x128xf32, #tpu.memory_space<hbm>> -> memref<1x200x64xf32, #tpu.memory_space<hbm>>
    %dma_start3A_504 = tpu.memref_squeeze %dma_start3A_503 : memref<1x200x64xf32, #tpu.memory_space<hbm>> -> memref<200x64xf32, #tpu.memory_space<hbm>>
    %dma_start3A_505 = arith.constant 0 : i32
    %dma_start3A_506 = arith.constant 0 : i32
    %dma_start3A_507 = tpu.memref_slice %arg6[%dma_start3A_489, %dma_start3A_505, %dma_start3A_506] : memref<4x200x64xf32, #tpu.memory_space<vmem>> -> memref<1x200x64xf32, #tpu.memory_space<vmem>>
    %dma_start3A_508 = tpu.memref_squeeze %dma_start3A_507 : memref<1x200x64xf32, #tpu.memory_space<vmem>> -> memref<200x64xf32, #tpu.memory_space<vmem>>
    tpu.enqueue_dma source(%dma_start3A_508 : memref<200x64xf32, #tpu.memory_space<vmem>>) target(%dma_start3A_504 : memref<200x64xf32, #tpu.memory_space<hbm>>) target_semaphore(%dma_start3A_500 : memref<!tpu.dma_semaphore, #tpu.memory_space<semaphore_mem>>)
    %add3A_509 = arith.constant 124 : i32
    %add3A_510 = arith.addi %mul3A_2, %add3A_509 : i32
    %dma_wait3A_511 = arith.constant 0 : i32
    %dma_wait3A_512 = arith.constant 0 : i32
    %dma_wait3A_513 = arith.constant 0 : i32
    %dma_wait3A_514 = arith.constant 0 : i32
    %dma_wait3A_515 = tpu.memref_slice %arg6[%dma_wait3A_511, %dma_wait3A_513, %dma_wait3A_514] : memref<4x200x64xf32, #tpu.memory_space<vmem>> -> memref<1x200x64xf32, #tpu.memory_space<vmem>>
    %dma_wait3A_516 = tpu.memref_squeeze %dma_wait3A_515 : memref<1x200x64xf32, #tpu.memory_space<vmem>> -> memref<200x64xf32, #tpu.memory_space<vmem>>
    %dma_wait3A_517 = arith.constant 0 : i32
    %dma_wait3A_518 = arith.constant 0 : i32
    %dma_wait3A_519 = tpu.memref_slice %arg4[%add3A_510, %dma_wait3A_517, %dma_wait3A_518] : memref<4096x200x128xf32, #tpu.memory_space<hbm>> -> memref<1x200x64xf32, #tpu.memory_space<hbm>>
    %dma_wait3A_520 = tpu.memref_squeeze %dma_wait3A_519 : memref<1x200x64xf32, #tpu.memory_space<hbm>> -> memref<200x64xf32, #tpu.memory_space<hbm>>
    %dma_wait3A_521 = tpu.memref_slice %arg8[%dma_wait3A_512] : memref<4x!tpu.dma_semaphore, #tpu.memory_space<semaphore_mem>> -> memref<1x!tpu.dma_semaphore, #tpu.memory_space<semaphore_mem>>
    %dma_wait3A_522 = tpu.memref_squeeze %dma_wait3A_521 : memref<1x!tpu.dma_semaphore, #tpu.memory_space<semaphore_mem>> -> memref<!tpu.dma_semaphore, #tpu.memory_space<semaphore_mem>>
    %dma_wait3A_523 = arith.constant 0 : i32
    %dma_wait3A_524 = arith.constant 0 : i32
    %dma_wait3A_525 = tpu.memref_slice %arg4[%add3A_510, %dma_wait3A_523, %dma_wait3A_524] : memref<4096x200x128xf32, #tpu.memory_space<hbm>> -> memref<1x200x64xf32, #tpu.memory_space<hbm>>
    %dma_wait3A_526 = tpu.memref_squeeze %dma_wait3A_525 : memref<1x200x64xf32, #tpu.memory_space<hbm>> -> memref<200x64xf32, #tpu.memory_space<hbm>>
    %dma_wait3A_527 = arith.constant 0 : i32
    %dma_wait3A_528 = arith.constant 0 : i32
    %dma_wait3A_529 = tpu.memref_slice %arg6[%dma_wait3A_511, %dma_wait3A_527, %dma_wait3A_528] : memref<4x200x64xf32, #tpu.memory_space<vmem>> -> memref<1x200x64xf32, #tpu.memory_space<vmem>>
    %dma_wait3A_530 = tpu.memref_squeeze %dma_wait3A_529 : memref<1x200x64xf32, #tpu.memory_space<vmem>> -> memref<200x64xf32, #tpu.memory_space<vmem>>
    tpu.wait_dma2 semaphore(%dma_wait3A_522 : memref<!tpu.dma_semaphore, #tpu.memory_space<semaphore_mem>>) src(%dma_wait3A_530 : memref<200x64xf32, #tpu.memory_space<vmem>>) dst(%dma_wait3A_526 : memref<200x64xf32, #tpu.memory_space<hbm>>)
    %add3A_531 = arith.constant 125 : i32
    %add3A_532 = arith.addi %mul3A_2, %add3A_531 : i32
    %dma_wait3A_533 = arith.constant 1 : i32
    %dma_wait3A_534 = arith.constant 1 : i32
    %dma_wait3A_535 = arith.constant 0 : i32
    %dma_wait3A_536 = arith.constant 0 : i32
    %dma_wait3A_537 = tpu.memref_slice %arg6[%dma_wait3A_533, %dma_wait3A_535, %dma_wait3A_536] : memref<4x200x64xf32, #tpu.memory_space<vmem>> -> memref<1x200x64xf32, #tpu.memory_space<vmem>>
    %dma_wait3A_538 = tpu.memref_squeeze %dma_wait3A_537 : memref<1x200x64xf32, #tpu.memory_space<vmem>> -> memref<200x64xf32, #tpu.memory_space<vmem>>
    %dma_wait3A_539 = arith.constant 0 : i32
    %dma_wait3A_540 = arith.constant 0 : i32
    %dma_wait3A_541 = tpu.memref_slice %arg4[%add3A_532, %dma_wait3A_539, %dma_wait3A_540] : memref<4096x200x128xf32, #tpu.memory_space<hbm>> -> memref<1x200x64xf32, #tpu.memory_space<hbm>>
    %dma_wait3A_542 = tpu.memref_squeeze %dma_wait3A_541 : memref<1x200x64xf32, #tpu.memory_space<hbm>> -> memref<200x64xf32, #tpu.memory_space<hbm>>
    %dma_wait3A_543 = tpu.memref_slice %arg8[%dma_wait3A_534] : memref<4x!tpu.dma_semaphore, #tpu.memory_space<semaphore_mem>> -> memref<1x!tpu.dma_semaphore, #tpu.memory_space<semaphore_mem>>
    %dma_wait3A_544 = tpu.memref_squeeze %dma_wait3A_543 : memref<1x!tpu.dma_semaphore, #tpu.memory_space<semaphore_mem>> -> memref<!tpu.dma_semaphore, #tpu.memory_space<semaphore_mem>>
    %dma_wait3A_545 = arith.constant 0 : i32
    %dma_wait3A_546 = arith.constant 0 : i32
    %dma_wait3A_547 = tpu.memref_slice %arg4[%add3A_532, %dma_wait3A_545, %dma_wait3A_546] : memref<4096x200x128xf32, #tpu.memory_space<hbm>> -> memref<1x200x64xf32, #tpu.memory_space<hbm>>
    %dma_wait3A_548 = tpu.memref_squeeze %dma_wait3A_547 : memref<1x200x64xf32, #tpu.memory_space<hbm>> -> memref<200x64xf32, #tpu.memory_space<hbm>>
    %dma_wait3A_549 = arith.constant 0 : i32
    %dma_wait3A_550 = arith.constant 0 : i32
    %dma_wait3A_551 = tpu.memref_slice %arg6[%dma_wait3A_533, %dma_wait3A_549, %dma_wait3A_550] : memref<4x200x64xf32, #tpu.memory_space<vmem>> -> memref<1x200x64xf32, #tpu.memory_space<vmem>>
    %dma_wait3A_552 = tpu.memref_squeeze %dma_wait3A_551 : memref<1x200x64xf32, #tpu.memory_space<vmem>> -> memref<200x64xf32, #tpu.memory_space<vmem>>
    tpu.wait_dma2 semaphore(%dma_wait3A_544 : memref<!tpu.dma_semaphore, #tpu.memory_space<semaphore_mem>>) src(%dma_wait3A_552 : memref<200x64xf32, #tpu.memory_space<vmem>>) dst(%dma_wait3A_548 : memref<200x64xf32, #tpu.memory_space<hbm>>)
    %add3A_553 = arith.constant 126 : i32
    %add3A_554 = arith.addi %mul3A_2, %add3A_553 : i32
    %dma_wait3A_555 = arith.constant 2 : i32
    %dma_wait3A_556 = arith.constant 2 : i32
    %dma_wait3A_557 = arith.constant 0 : i32
    %dma_wait3A_558 = arith.constant 0 : i32
    %dma_wait3A_559 = tpu.memref_slice %arg6[%dma_wait3A_555, %dma_wait3A_557, %dma_wait3A_558] : memref<4x200x64xf32, #tpu.memory_space<vmem>> -> memref<1x200x64xf32, #tpu.memory_space<vmem>>
    %dma_wait3A_560 = tpu.memref_squeeze %dma_wait3A_559 : memref<1x200x64xf32, #tpu.memory_space<vmem>> -> memref<200x64xf32, #tpu.memory_space<vmem>>
    %dma_wait3A_561 = arith.constant 0 : i32
    %dma_wait3A_562 = arith.constant 0 : i32
    %dma_wait3A_563 = tpu.memref_slice %arg4[%add3A_554, %dma_wait3A_561, %dma_wait3A_562] : memref<4096x200x128xf32, #tpu.memory_space<hbm>> -> memref<1x200x64xf32, #tpu.memory_space<hbm>>
    %dma_wait3A_564 = tpu.memref_squeeze %dma_wait3A_563 : memref<1x200x64xf32, #tpu.memory_space<hbm>> -> memref<200x64xf32, #tpu.memory_space<hbm>>
    %dma_wait3A_565 = tpu.memref_slice %arg8[%dma_wait3A_556] : memref<4x!tpu.dma_semaphore, #tpu.memory_space<semaphore_mem>> -> memref<1x!tpu.dma_semaphore, #tpu.memory_space<semaphore_mem>>
    %dma_wait3A_566 = tpu.memref_squeeze %dma_wait3A_565 : memref<1x!tpu.dma_semaphore, #tpu.memory_space<semaphore_mem>> -> memref<!tpu.dma_semaphore, #tpu.memory_space<semaphore_mem>>
    %dma_wait3A_567 = arith.constant 0 : i32
    %dma_wait3A_568 = arith.constant 0 : i32
    %dma_wait3A_569 = tpu.memref_slice %arg4[%add3A_554, %dma_wait3A_567, %dma_wait3A_568] : memref<4096x200x128xf32, #tpu.memory_space<hbm>> -> memref<1x200x64xf32, #tpu.memory_space<hbm>>
    %dma_wait3A_570 = tpu.memref_squeeze %dma_wait3A_569 : memref<1x200x64xf32, #tpu.memory_space<hbm>> -> memref<200x64xf32, #tpu.memory_space<hbm>>
    %dma_wait3A_571 = arith.constant 0 : i32
    %dma_wait3A_572 = arith.constant 0 : i32
    %dma_wait3A_573 = tpu.memref_slice %arg6[%dma_wait3A_555, %dma_wait3A_571, %dma_wait3A_572] : memref<4x200x64xf32, #tpu.memory_space<vmem>> -> memref<1x200x64xf32, #tpu.memory_space<vmem>>
    %dma_wait3A_574 = tpu.memref_squeeze %dma_wait3A_573 : memref<1x200x64xf32, #tpu.memory_space<vmem>> -> memref<200x64xf32, #tpu.memory_space<vmem>>
    tpu.wait_dma2 semaphore(%dma_wait3A_566 : memref<!tpu.dma_semaphore, #tpu.memory_space<semaphore_mem>>) src(%dma_wait3A_574 : memref<200x64xf32, #tpu.memory_space<vmem>>) dst(%dma_wait3A_570 : memref<200x64xf32, #tpu.memory_space<hbm>>)
    %add3A_575 = arith.constant 127 : i32
    %add3A_576 = arith.addi %mul3A_2, %add3A_575 : i32
    %dma_wait3A_577 = arith.constant 3 : i32
    %dma_wait3A_578 = arith.constant 3 : i32
    %dma_wait3A_579 = arith.constant 0 : i32
    %dma_wait3A_580 = arith.constant 0 : i32
    %dma_wait3A_581 = tpu.memref_slice %arg6[%dma_wait3A_577, %dma_wait3A_579, %dma_wait3A_580] : memref<4x200x64xf32, #tpu.memory_space<vmem>> -> memref<1x200x64xf32, #tpu.memory_space<vmem>>
    %dma_wait3A_582 = tpu.memref_squeeze %dma_wait3A_581 : memref<1x200x64xf32, #tpu.memory_space<vmem>> -> memref<200x64xf32, #tpu.memory_space<vmem>>
    %dma_wait3A_583 = arith.constant 0 : i32
    %dma_wait3A_584 = arith.constant 0 : i32
    %dma_wait3A_585 = tpu.memref_slice %arg4[%add3A_576, %dma_wait3A_583, %dma_wait3A_584] : memref<4096x200x128xf32, #tpu.memory_space<hbm>> -> memref<1x200x64xf32, #tpu.memory_space<hbm>>
    %dma_wait3A_586 = tpu.memref_squeeze %dma_wait3A_585 : memref<1x200x64xf32, #tpu.memory_space<hbm>> -> memref<200x64xf32, #tpu.memory_space<hbm>>
    %dma_wait3A_587 = tpu.memref_slice %arg8[%dma_wait3A_578] : memref<4x!tpu.dma_semaphore, #tpu.memory_space<semaphore_mem>> -> memref<1x!tpu.dma_semaphore, #tpu.memory_space<semaphore_mem>>
    %dma_wait3A_588 = tpu.memref_squeeze %dma_wait3A_587 : memref<1x!tpu.dma_semaphore, #tpu.memory_space<semaphore_mem>> -> memref<!tpu.dma_semaphore, #tpu.memory_space<semaphore_mem>>
    %dma_wait3A_589 = arith.constant 0 : i32
    %dma_wait3A_590 = arith.constant 0 : i32
    %dma_wait3A_591 = tpu.memref_slice %arg4[%add3A_576, %dma_wait3A_589, %dma_wait3A_590] : memref<4096x200x128xf32, #tpu.memory_space<hbm>> -> memref<1x200x64xf32, #tpu.memory_space<hbm>>
    %dma_wait3A_592 = tpu.memref_squeeze %dma_wait3A_591 : memref<1x200x64xf32, #tpu.memory_space<hbm>> -> memref<200x64xf32, #tpu.memory_space<hbm>>
    %dma_wait3A_593 = arith.constant 0 : i32
    %dma_wait3A_594 = arith.constant 0 : i32
    %dma_wait3A_595 = tpu.memref_slice %arg6[%dma_wait3A_577, %dma_wait3A_593, %dma_wait3A_594] : memref<4x200x64xf32, #tpu.memory_space<vmem>> -> memref<1x200x64xf32, #tpu.memory_space<vmem>>
    %dma_wait3A_596 = tpu.memref_squeeze %dma_wait3A_595 : memref<1x200x64xf32, #tpu.memory_space<vmem>> -> memref<200x64xf32, #tpu.memory_space<vmem>>
    tpu.wait_dma2 semaphore(%dma_wait3A_588 : memref<!tpu.dma_semaphore, #tpu.memory_space<semaphore_mem>>) src(%dma_wait3A_596 : memref<200x64xf32, #tpu.memory_space<vmem>>) dst(%dma_wait3A_592 : memref<200x64xf32, #tpu.memory_space<hbm>>)
    return
  }
}

</mosaic_0001>

<sc_bundles>
// kernel: kernel.3.cloned.1.call-start
scs
__scs_entry_jumppad:
0x0: {  	(pc) =	sbr.rel $0x88, $3  }
0x1: {  	(tag) =	ssettag $0x0;
	lr =	simm.s32 $0x1  }
0x2: {  	[smem:$0x3F9F] =	sst lr;
	_ =	strace $0xD0000000  }
0x3: {  	_ = 	snop  }
0x4: {  	_ = 	snop  }
0x5: {  	_ = 	snop  }
0x6: {  	_ = 	snop  }
0x7: {  	_ = 	snop  }
__scs_overlays_trampoline_lowered:
0x8: {  	[smem:$0x3FAE] =	sst s0  }
0x9: {  	[smem:$0x3FAF] =	sst s1  }
0xa: {  	[smem:$0x3FB0] =	sst s2  }
0xb: {  	[smem:$0x3FB1] =	sst s3  }
0xc: {  	[smem:$0x3FB2] =	sst s4  }
0xd: {  	[smem:$0x3FB3] =	sst s5  }
0xe: {  	[smem:$0x3FB4] =	sst s6  }
0xf: {  	[smem:$0x3FB5] =	sst s7  }
0x10: {  	[smem:$0x3FB6] =	sst s8  }
0x11: {  	[smem:$0x3FB7] =	sst s9;
	s0 =	simm.s32 @!p0 $0x0  }
0x12: {  	s1 =	sld [smem:$0x3F9D];
	s0 =	simm.s32 @p0 $0x1  }
0x13: {  	[smem:$0x3FB8] =	sst s0;
	s0 =	simm.s32 @!p1 $0x0  }
0x14: {  	s2 =	sld [smem:$0x3F9C];
	s0 =	simm.s32 @p1 $0x1  }
0x15: {  	[smem:$0x3FB9] =	sst s0;
	s0 =	simm.s32 @!p2 $0x0  }
0x16: {  	s3 =	sld [smem:$0x3FDB];
	s0 =	simm.s32 @p2 $0x1  }
0x17: {  	s4 =	simm.s32 $0x1BF5;
	[smem:$0x3FBB] =	sst s0  }
0x18: {  	s0 =	sld [smem:$0x3F9E];
	_ =	swait.ge [sflag:s4], $0x0  }
0x19: {  	s7 =	sld [smem:$0x3F9F]  }
0x1a: {  	s8 =	sadd.s32 $0xFFFFE003, lr  }
0x1b: {  	s9 =	sadd.s32 $0xFFFFFEF7, lr;
	s5 =	simm.s32 $0xFFFFFFFF;
	p2 =	slt.u32 s8, $0xFFFFF086  }
0x1c: {  	p1 =	slt.u32 s9, $0xF7A;
	s5 =	simm.s32 @!p2 $0x0  }
0x1d: {  	s5 =	simm.s32 @p1 $0x1;
	p0 =	seq.s32 s7, s2  }
0x1e: {  	s7 =	smul.u32 @!p0 $0xF7A, s2;
	p2 =	seq.s32 @!p0 s5, $0x0  }
0x1f: {  	s9 =	smul.u32 $0xF7A, s1;
	s8 =	simm.s32 @!p0 $0x1BF5;
	p2 =	por !p2, p0  }
0x20: {  	[sflag:s8] =	ssyncset.s32 @!p0 $0xFFFFF086;
	s6 =	sadd.s32 @!p0 s3, s7;
	s7 =	simm.s32 @!p0 $0x108  }
0x21: {  	s3 =	sadd.s32 s3, s9;
	s6 =	sadd.s32 @!p0 $0x88, s6;
	s7 =	simm.s32 @p2 $0x1082  }
0x22: {  	[simem:s7], [sflag:s8] =	dma.local @!p0 [hbm:s6], $0xF7A  }
0x23: {  	s9 =	sor.u32 $0xD0000000, s2;
	s6 =	simm.s32 $0x108;
	_ =	swait.ge @!p0 [sflag:s8], $0x0  }
0x24: {  	s3 =	sadd.s32 $0x88, s3;
	s6 =	simm.s32 @!p1 $0x1082;
	[sflag:s4] =	ssyncset.s32 $0xFFFFF086  }
0x25: {  	[simem:s6], [sflag:s4] =	dma.local [hbm:s3], $0xF7A  }
0x26: {  	[smem:$0x3F9F] =	sst s1;
	(tag) =	ssettag s2;
	_ =	strace s9  }
0x27: {  	s1 =	sld [smem:$0x3FAF]  }
0x28: {  	s2 =	sld [smem:$0x3FB0]  }
0x29: {  	s4 =	sld [smem:$0x3FB2]  }
0x2a: {  	p0 =	seq.s32 s5, $0x0;
	s5 =	sld [smem:$0x3FB3]  }
0x2b: {  	s6 =	sld [smem:$0x3FB4]  }
0x2c: {  	s7 =	sld [smem:$0x3FB5]  }
0x2d: {  	s3 =	simm.s32 $0x108;
	s8 =	sld [smem:$0x3FB6]  }
0x2e: {  	s3 =	simm.s32 @!p0 $0x1082;
	s9 =	sld [smem:$0x3FB7]  }
0x2f: {  	lr =	sadd.s32 s0, s3;
	s0 =	sld [smem:$0x3FAE]  }
0x30: {  	s3 =	sld [smem:$0x3FB1]  }
0x31: {  	[smem:$0x3FBA] =	sst s10  }
0x32: {  	s10 =	sld [smem:$0x3FB8];
	_ =	sdelay $0x3  }
0x33: {  	p0 =	seq.s32 s10, $0x1;
	s10 =	sld [smem:$0x3FBA];
	_ =	sdelay $0x3  }
0x34: {  	[smem:$0x3FBA] =	sst s10  }
0x35: {  	s10 =	sld [smem:$0x3FB9];
	_ =	sdelay $0x3  }
0x36: {  	p1 =	seq.s32 s10, $0x1;
	s10 =	sld [smem:$0x3FBA];
	_ =	sdelay $0x3  }
0x37: {  	[smem:$0x3FBA] =	sst s10  }
0x38: {  	s10 =	sld [smem:$0x3FBB]  }
0x39: {  	_ = 	snop;
	(pc) =	sbr.ind lr, $3  }
0x3a: {  	_ = 	snop  }
0x3b: {  	_ = 	snop  }
0x3c: {  	p2 =	seq.s32 s10, $0x1;
	s10 =	sld [smem:$0x3FBA]  }
0x3d: {  	_ =	shalt  }
0x3e: {  	_ =	shalt  }
0x3f: {  	_ =	shalt  }
0x40: {  	_ =	shalt  }
0x41: {  	_ =	shalt  }
0x42: {  	_ =	shalt  }
0x43: {  	_ =	shalt  }
0x44: {  	_ =	shalt  }
0x45: {  	_ =	shalt  }
0x46: {  	_ =	shalt  }
0x47: {  	_ =	shalt  }
0x48: {  	_ =	shalt  }
0x49: {  	_ =	shalt  }
0x4a: {  	_ =	shalt  }
0x4b: {  	_ =	shalt  }
0x4c: {  	_ =	shalt  }
0x4d: {  	_ =	shalt  }
0x4e: {  	_ =	shalt  }
0x4f: {  	_ =	shalt  }
0x50: {  	_ =	shalt  }
0x51: {  	_ =	shalt  }
0x52: {  	_ =	shalt  }
0x53: {  	_ =	shalt  }
0x54: {  	_ =	shalt  }
0x55: {  	_ =	shalt  }
0x56: {  	_ =	shalt  }
0x57: {  	_ =	shalt  }
0x58: {  	_ =	shalt  }
0x59: {  	_ =	shalt  }
0x5a: {  	_ =	shalt  }
0x5b: {  	_ =	shalt  }
0x5c: {  	_ =	shalt  }
0x5d: {  	_ =	shalt  }
0x5e: {  	_ =	shalt  }
0x5f: {  	_ =	shalt  }
0x60: {  	_ =	shalt  }
0x61: {  	_ =	shalt  }
0x62: {  	_ =	shalt  }
0x63: {  	_ =	shalt  }
0x64: {  	_ =	shalt  }
0x65: {  	_ =	shalt  }
0x66: {  	_ =	shalt  }
0x67: {  	_ =	shalt  }
0x68: {  	_ =	shalt  }
0x69: {  	_ =	shalt  }
0x6a: {  	_ =	shalt  }
0x6b: {  	_ =	shalt  }
0x6c: {  	_ =	shalt  }
0x6d: {  	_ =	shalt  }
0x6e: {  	_ =	shalt  }
0x6f: {  	_ =	shalt  }
0x70: {  	_ =	shalt  }
0x71: {  	_ =	shalt  }
0x72: {  	_ =	shalt  }
0x73: {  	_ =	shalt  }
0x74: {  	_ =	shalt  }
0x75: {  	_ =	shalt  }
0x76: {  	_ =	shalt  }
0x77: {  	_ =	shalt  }
0x78: {  	_ =	shalt  }
0x79: {  	_ =	shalt  }
0x7a: {  	_ =	shalt  }
0x7b: {  	_ =	shalt  }
0x7c: {  	_ =	shalt  }
0x7d: {  	_ =	shalt  }
0x7e: {  	_ =	shalt  }
0x7f: {  	_ =	shalt  }
0x80: {  	_ =	shalt  }
0x81: {  	_ =	shalt  }
0x82: {  	_ =	shalt  }
0x83: {  	_ =	shalt  }
0x84: {  	_ =	shalt  }
0x85: {  	_ =	shalt  }
0x86: {  	_ =	shalt  }
0x87: {  	_ =	shalt  }
.Lfunc_end0:
.L_simem_size_0:
called_computation.1_lowered:
.L_overlay_start_0:
0x88: {  	s2 =	sld [smem:$0x3FD9]  }
0x89: {  	s3 =	sld [smem:$0x3FFE];
	_ =	sdelay $0x1  }
0x8a: {  	s1 =	srdreg.scid  }
0x8b: {  	s0 =	sand.u32 $0x1, s1  }
0x8c: {  	s17 =	sshll.u32 s0, $0xA;
	s2 =	sadd.s32 s3, s2  }
0x8d: {  	s2 =	sadd.s32 s2, s17  }
0x8e: {  	[smem:$0x3FC6] =	sst s2  }
0x8f: {  	_ = 	snop  }
0x90: {  	s2 =	sld [smem:$0x3FD0];
	(tm) =	ssettm $0x1  }
0x91: {  	s18 =	sld [smem:$0x3FFB];
	_ =	sdelay $0x3  }
0x92: {  	_ =	strace s18  }
0x93: {  	s3 =	sld [smem:$0x3FFC];
	_ =	sdelay $0x3  }
0x94: {  	_ =	strace s3  }
0x95: {  	s3 =	sld [smem:$0x3FFD];
	_ =	sdelay $0x3  }
0x96: {  	_ =	strace s3  }
0x97: {  	_ =	strace $0x8FFFFFFF  }
0x98: {  	s19 =	sld [smem:$0x3FDB];
	_ =	sdelay $0x1  }
0x99: {  	s4 =	simm.s32 $_scs_section_size  }
0x9a: {  	s5 =	simm.s32 $_size__tile_overlayer_lowered;
	s6 =	simm.s32 $_tile_overlayer_lowered  }
0x9b: {  	s22 =	simm.s32 $0x1BFF;
	s21 =	sshll.u32 s6, $0x1;
	s3 =	sadd.s32 s4, s19  }
0x9c: {  	s7 =	simm.s32 $0x0;
	s20 =	sshll.u32 s5, $0x1;
	s5 =	sadd.s32 s21, s3  }
0x9d: {  	[timem:s7], [sflag:s22] =	dma.local [hbm:s5], s20  }
0x9e: {  	_ =	swait.ge [sflag:s22], s20  }
0x9f: {  	s4 =	ssub.s32 $0x0, s20;
	[sflag:s22] =	ssyncset.done $0x0  }
0xa0: {  	[sflag:s22] =	ssyncadd.s32 s4;
	_ =	sdelay $0x1  }
0xa1: {  	s23 =	simm.s32 $0x1B8B  }
0xa2: {  	_ =	swait.ge [sflag:s23], $0x1  }
0xa3: {  	[sflag:s23] =	ssyncset.done $0x0  }
0xa4: {  	s25 =	simm.s32 $0x1B8E;
	s24 =	sld [smem:$0x3FFE];
	[sflag:s23] =	ssyncadd.s32 $0xFFFFFFFF  }
0xa5: {  	s26 =	simm.s32 $execute0_lowered;
	[smem:$0x3FD2] =	sst s25  }
0xa6: {  	s5 =	sshll.u32 s26, $0x1;
	_ =	strace $0x80000046;
	[dreg:$0x1] =	wrdreg $0xFFFFFFFF  }
0xa7: {  	s28 =	simm.s32 $_size_execute0_lowered;
	s3 =	sadd.s32 s3, s5;
	[dreg:$0x0] =	wrdreg $0x0  }
0xa8: {  	s5 =	sshll.u32 s28, $0x1;
	[dreg:$0x2] =	wrdreg s3  }
0xa9: {  	[dreg:$0x3] =	wrdreg s5  }
0xaa: {  	[dreg:$0x4] =	wrdreg $0xC0  }
0xab: {  	_ =	task [dreg:s7], $0x5FFFF  }
0xac: {  	[dreg:$0x1] =	wrdreg $0xFFFFFFFF  }
0xad: {  	[dreg:$0x0] =	wrdreg $0x60  }
0xae: {  	[dreg:$0x2] =	wrdreg s24  }
0xaf: {  	[dreg:$0x3] =	wrdreg s2  }
0xb0: {  	[dreg:$0x4] =	wrdreg $0x9  }
0xb1: {  	_ =	task.clear_ibuf [dreg:s7], $0x5FFFF;
	_ =	strace $0x90000046  }
0xb2: {  	s29 =	simm.s32 $0x9;
	_ =	strace $0x80000048  }
0xb3: {  	_ =	swait.ge [sflag:s29], $0x1  }
0xb4: {  	[sflag:s29] =	ssyncadd.s32 $0xFFFFFFFF  }
0xb5: {  	_ =	strace $0x90000048  }
0xb6: {  	_ =	sfence  }
0xb7: {  	s30 =	sld [smem:$0x0];
	_ =	sdelay $0x2  }
0xb8: {  	s31 =	sshll.u32 s1, $0xD;
	s1 =	sshrl.u32 s1, $0x2  }
0xb9: {  	s3 =	sand.u32 $0x4000, s31;
	s1 =	sadd.s32 s1, s30  }
0xba: {  	s0 =	sor.u32 s3, s0;
	s1 =	sshll.u32 s1, $0x11  }
0xbb: {  	s0 =	sor.u32 s1, s0  }
0xbc: {  	s0 =	sadd.s32 $0x8F2B, s0  }
0xbd: {  	[sflag:s0] =	ssyncadd.remote.s32 $0x1  }
0xbe: {  	_ =	sfence.sel $0xFFFF  }
0xbf: {  	[dreg:$0x0] =	wrdreg $0xFFFFFFFF;
	(pc) =	sbr.abs _section_cstart, $3  }
0xc0: {  	[dreg:$0x1] =	wrdreg $0xFFFFFFFF  }
0xc1: {  	_ =	task.clear_ibuf [dreg:s7], $0x2FFFF;
	_ =	strace $0x9FFFFFFF  }
0xc2: {  	(tm) =	ssettm $0x7FFFFFFF  }
0xc3: {  	_ =	shalt  }
tec
execute0_lowered:
.L_overlay_start_1:
0x0: {  	(tag) =	ssettag $0x1  }
0x1: {  	s0 =	srdreg.scid;
	s1 =	rddreg [dreg:$0x0]  }
0x2: {  	s9 =	stileid.u32;
	s2 =	rddreg [dreg:$0x1]  }
0x3: {  	s5 =	simm.s32 $0x0;
	s15 =	simm.s32 $0x9;
	s16 =	simm.s32 $0xC8  }
0x4: {  	s17 =	simm.s32 $0x6400;
	s18 =	simm.s32 $0x9600;
	s20 =	simm.s32 $0xC800  }
0x5: {  	s28 =	simm.s32 $0x5;
	s30 =	simm.s32 $0x3;
	s31 =	simm.s32 $0x6  }
0x6: {  	s19 =	simm.s32 $0x7;
	s29 =	simm.s32 $0x8;
	s0 =	sand.u32 $0x1, s0  }
0x7: {  	s3 =	sshll.u32 s9, $0x8;
	s26 =	smul.u32 $0xC8000, s9;
	s4 =	sshll.u32 s0, $0x7  }
0x8: {  	s22 =	ssub.s32 $0x2, s0;
	s0 =	smul.u32 $0x64000, s0;
	s3 =	sor.u32 s4, s3  }
0x9: {  	[smem:$0x7FF] =	sst s5;
	s12 =	sadd.s32 $0xA00, s1;
	s21 =	smul.u32 $0x19, s3  }
0xa: {  	_ =	strace $0x80000047;
	s7 =	sshrl.u32 s22, $0x1;
	s6 =	smul.u32 $0xC80, s3  }
0xb: {  	s5 =	sadd.s32 s26, s12;
	s26 =	simm.s32 $0x2;
	s8 =	smul.u32 $0x6400, s3  }
0xc: {  	s3 =	sadd.s32 $0xF42E00, s1;
	s23 =	ssub.s32 s22, s7;
	s0 =	sadd.s32 s0, s5  }
0xd: {  	s22 =	simm.s32 $0x40;
	s13 =	smax.u32 s23, $0x1;
	s14 =	sadd.s32 $0x5780, s0  }
0xe: {  	s23 =	simm.s32 $0x80;
	s0 =	simm.s32 $0x4;
	s4 =	sadd.s32 s12, s6  }
0xf: {  	s2 =	sadd.s32 s2, s21;
	s25 =	sshrl.u32 s8, $0x3;
	s21 =	simm.s32 $0x1  }
0x10: {  	[dreg:$0x3] =	wrdreg s2;
	s24 =	sadd.s32 $0xC80, s4;
	s7 =	sadd.s32 $0x1900, s4  }
0x11: {  	s2 =	sadd.s32 s12, s25;
	s8 =	sadd.s32 $0x2580, s4;
	s25 =	simm.s32 $0xFA00  }
0x12: {  	[dreg:$0x4] =	wrdreg s24;
	s9 =	sadd.s32 $0x60E00, s2;
	s10 =	sadd.s32 $0x61A80, s2  }
0x13: {  	s11 =	sadd.s32 $0x62700, s2;
	s12 =	sadd.s32 $0x63380, s2;
	s24 =	simm.s32 $0x0  }
.LBB2_1:
0x14: {  	s1 =	simm.s32 $0x0;
	s2 =	rddreg [dreg:$0x3]  }
0x15: {  	[tilespmem:s1], [sflag:$0x9] =	stream.linear.gather [hbm4b:s2+s1], $0x6400, $0x38;
	[tilespmem:$0x12C00] =	vst v63  }
0x16: {  	_ =	swait.ge [sflag:s15], $0x6400  }
0x17: {  	[sflag:s15] =	ssyncset.done $0x0  }
0x18: {  	[sflag:s15] =	ssyncadd.s32 $0xFFFF9C00  }
0x19: {  	[tilespmem:s17], [sflag:$0x1] =	stream.indirect.gather [hbm4b:s3+s16], $0x40, s1, s16, $0xb8;
	[tilespmem:$0x12C00] =	vst v63  }
0x1a: {  	_ = 	snop  }
0x1b: {  	[tilespmem:s18], [sflag:$0x2] =	stream.indirect.gather [hbm4b:s3+s16], $0x40, s16, s16, $0xb8;
	[tilespmem:$0x12C00] =	vst v63  }
0x1c: {  	s2 =	simm.s32 $0x190  }
0x1d: {  	[tilespmem:s20], [sflag:$0x3] =	stream.indirect.gather [hbm4b:s3+s16], $0x40, s2, s16, $0xb8;
	[tilespmem:$0x12C00] =	vst v63  }
0x1e: {  	_ =	swait.ge [sflag:s21], $0x3200  }
0x1f: {  	[sflag:s21] =	ssyncset.done $0x0  }
0x20: {  	[sflag:s21] =	ssyncadd.s32 $0xFFFFCE00  }
0x21: {  	[hbm4b:s4+s22] =	stream.strided.scatter [tilespmem:s17], [sflag:$0x5], $0x3200, s23, s22, $0x38;
	[tilespmem:$0x12C00] =	vst v63  }
0x22: {  	s5 =	simm.s32 $0x258  }
0x23: {  	[tilespmem:s25], [sflag:$0x4] =	stream.indirect.gather [hbm4b:s3+s16], $0x40, s5, s16, $0xb8;
	[tilespmem:$0x12C00] =	vst v63  }
0x24: {  	_ =	swait.ge [sflag:s26], $0x3200  }
0x25: {  	[sflag:s26] =	ssyncset.done $0x0  }
0x26: {  	s6 =	rddreg [dreg:$0x4];
	[sflag:s26] =	ssyncadd.s32 $0xFFFFCE00  }
0x27: {  	[hbm4b:s6+s22] =	stream.strided.scatter [tilespmem:s18], [sflag:$0x6], $0x3200, s23, s22, $0x38;
	[tilespmem:$0x12C00] =	vst v63  }
0x28: {  	_ =	swait.ge [sflag:s28], $0x3200  }
0x29: {  	[sflag:s28] =	ssyncset.done $0x0  }
0x2a: {  	s2 =	simm.s32 $0x320;
	[sflag:s28] =	ssyncadd.s32 $0xFFFFCE00  }
0x2b: {  	[tilespmem:s17], [sflag:$0x1] =	stream.indirect.gather [hbm4b:s3+s16], $0x40, s2, s16, $0xb8;
	[tilespmem:$0x12C00] =	vst v63  }
0x2c: {  	_ =	swait.ge [sflag:s30], $0x3200  }
0x2d: {  	[sflag:s30] =	ssyncset.done $0x0  }
0x2e: {  	[sflag:s30] =	ssyncadd.s32 $0xFFFFCE00  }
0x2f: {  	[hbm4b:s7+s22] =	stream.strided.scatter [tilespmem:s20], [sflag:$0x7], $0x3200, s23, s22, $0x38;
	[tilespmem:$0x12C00] =	vst v63  }
0x30: {  	_ =	swait.ge [sflag:s31], $0x3200  }
0x31: {  	[sflag:s31] =	ssyncset.done $0x0  }
0x32: {  	s5 =	simm.s32 $0x3E8;
	[sflag:s31] =	ssyncadd.s32 $0xFFFFCE00  }
0x33: {  	[tilespmem:s18], [sflag:$0x2] =	stream.indirect.gather [hbm4b:s3+s16], $0x40, s5, s16, $0xb8;
	[tilespmem:$0x12C00] =	vst v63  }
0x34: {  	_ =	swait.ge [sflag:s0], $0x3200  }
0x35: {  	[sflag:s0] =	ssyncset.done $0x0  }
0x36: {  	[sflag:s0] =	ssyncadd.s32 $0xFFFFCE00  }
0x37: {  	[hbm4b:s8+s22] =	stream.strided.scatter [tilespmem:s25], [sflag:$0x8], $0x3200, s23, s22, $0x38;
	[tilespmem:$0x12C00] =	vst v63  }
0x38: {  	_ =	swait.ge [sflag:s19], $0x3200  }
0x39: {  	[sflag:s19] =	ssyncset.done $0x0  }
0x3a: {  	s6 =	simm.s32 $0x4B0;
	[sflag:s19] =	ssyncadd.s32 $0xFFFFCE00  }
0x3b: {  	[tilespmem:s20], [sflag:$0x3] =	stream.indirect.gather [hbm4b:s3+s16], $0x40, s6, s16, $0xb8;
	[tilespmem:$0x12C00] =	vst v63  }
0x3c: {  	_ =	swait.ge [sflag:s21], $0x3200  }
0x3d: {  	[sflag:s21] =	ssyncset.done $0x0  }
0x3e: {  	s2 =	sadd.s32 $0xFFFFDA80, s14;
	[sflag:s21] =	ssyncadd.s32 $0xFFFFCE00  }
0x3f: {  	[hbm4b:s2+s22] =	stream.strided.scatter [tilespmem:s17], [sflag:$0x5], $0x3200, s23, s22, $0x38;
	[tilespmem:$0x12C00] =	vst v63  }
0x40: {  	_ =	swait.ge [sflag:s29], $0x3200  }
0x41: {  	[sflag:s29] =	ssyncset.done $0x0  }
0x42: {  	s5 =	simm.s32 $0x578;
	[sflag:s29] =	ssyncadd.s32 $0xFFFFCE00  }
0x43: {  	[tilespmem:s25], [sflag:$0x4] =	stream.indirect.gather [hbm4b:s3+s16], $0x40, s5, s16, $0xb8;
	[tilespmem:$0x12C00] =	vst v63  }
0x44: {  	_ =	swait.ge [sflag:s26], $0x3200  }
0x45: {  	[sflag:s26] =	ssyncset.done $0x0  }
0x46: {  	s6 =	sadd.s32 $0xFFFFE700, s14;
	[sflag:s26] =	ssyncadd.s32 $0xFFFFCE00  }
0x47: {  	[hbm4b:s6+s22] =	stream.strided.scatter [tilespmem:s18], [sflag:$0x6], $0x3200, s23, s22, $0x38;
	[tilespmem:$0x12C00] =	vst v63  }
0x48: {  	_ =	swait.ge [sflag:s28], $0x3200  }
0x49: {  	[sflag:s28] =	ssyncset.done $0x0  }
0x4a: {  	s2 =	simm.s32 $0x640;
	[sflag:s28] =	ssyncadd.s32 $0xFFFFCE00  }
0x4b: {  	[tilespmem:s17], [sflag:$0x1] =	stream.indirect.gather [hbm4b:s3+s16], $0x40, s2, s16, $0xb8;
	[tilespmem:$0x12C00] =	vst v63  }
0x4c: {  	_ =	swait.ge [sflag:s30], $0x3200  }
0x4d: {  	[sflag:s30] =	ssyncset.done $0x0  }
0x4e: {  	s5 =	sadd.s32 $0xFFFFF380, s14;
	[sflag:s30] =	ssyncadd.s32 $0xFFFFCE00  }
0x4f: {  	[hbm4b:s5+s22] =	stream.strided.scatter [tilespmem:s20], [sflag:$0x7], $0x3200, s23, s22, $0x38;
	[tilespmem:$0x12C00] =	vst v63  }
0x50: {  	_ =	swait.ge [sflag:s31], $0x3200  }
0x51: {  	[sflag:s31] =	ssyncset.done $0x0  }
0x52: {  	s6 =	simm.s32 $0x708;
	[sflag:s31] =	ssyncadd.s32 $0xFFFFCE00  }
0x53: {  	[tilespmem:s18], [sflag:$0x2] =	stream.indirect.gather [hbm4b:s3+s16], $0x40, s6, s16, $0xb8;
	[tilespmem:$0x12C00] =	vst v63  }
0x54: {  	_ =	swait.ge [sflag:s0], $0x3200  }
0x55: {  	[sflag:s0] =	ssyncset.done $0x0  }
0x56: {  	[sflag:s0] =	ssyncadd.s32 $0xFFFFCE00  }
0x57: {  	[hbm4b:s14+s22] =	stream.strided.scatter [tilespmem:s25], [sflag:$0x8], $0x3200, s23, s22, $0x38;
	[tilespmem:$0x12C00] =	vst v63  }
0x58: {  	_ =	swait.ge [sflag:s19], $0x3200  }
0x59: {  	s1 =	simm.s32 $0xC80;
	[sflag:s19] =	ssyncset.done $0x0  }
0x5a: {  	s2 =	sadd.s32 $0x3200, s14;
	s5 =	simm.s32 $0x7D0;
	[sflag:s19] =	ssyncadd.s32 $0xFFFFCE00  }
.LBB2_2:
0x5b: {  	[tilespmem:s20], [sflag:$0x3] =	stream.indirect.gather [hbm4b:s3+s16], $0x40, s5, s16, $0xb8;
	[tilespmem:$0x12C00] =	vst v63  }
0x5c: {  	s5 =	smov.u32 s1  }
0x5d: {  	p0 =	sne.s32 s1, $0x16A80;
	s1 =	sadd.s32 $0xC80, s1;
	_ =	swait.ge [sflag:s21], $0x3200  }
0x5e: {  	[sflag:s21] =	ssyncset.done $0x0  }
0x5f: {  	s6 =	sadd.s32 $0xFFFFDA80, s2;
	[sflag:s21] =	ssyncadd.s32 $0xFFFFCE00  }
0x60: {  	[hbm4b:s6+s22] =	stream.strided.scatter [tilespmem:s17], [sflag:$0x5], $0x3200, s23, s22, $0x38;
	[tilespmem:$0x12C00] =	vst v63  }
0x61: {  	_ =	swait.ge [sflag:s29], $0x3200  }
0x62: {  	s5 =	sshra.s32 s5, $0x2;
	[sflag:s29] =	ssyncset.done $0x0  }
0x63: {  	s6 =	sadd.s32 $0x578, s5;
	[sflag:s29] =	ssyncadd.s32 $0xFFFFCE00  }
0x64: {  	[tilespmem:s25], [sflag:$0x4] =	stream.indirect.gather [hbm4b:s3+s16], $0x40, s6, s16, $0xb8;
	[tilespmem:$0x12C00] =	vst v63  }
0x65: {  	_ =	swait.ge [sflag:s26], $0x3200  }
0x66: {  	[sflag:s26] =	ssyncset.done $0x0  }
0x67: {  	s6 =	sadd.s32 $0xFFFFE700, s2;
	[sflag:s26] =	ssyncadd.s32 $0xFFFFCE00  }
0x68: {  	[hbm4b:s6+s22] =	stream.strided.scatter [tilespmem:s18], [sflag:$0x6], $0x3200, s23, s22, $0x38;
	[tilespmem:$0x12C00] =	vst v63  }
0x69: {  	_ =	swait.ge [sflag:s28], $0x3200  }
0x6a: {  	[sflag:s28] =	ssyncset.done $0x0  }
0x6b: {  	s6 =	sadd.s32 $0x640, s5;
	[sflag:s28] =	ssyncadd.s32 $0xFFFFCE00  }
0x6c: {  	[tilespmem:s17], [sflag:$0x1] =	stream.indirect.gather [hbm4b:s3+s16], $0x40, s6, s16, $0xb8;
	[tilespmem:$0x12C00] =	vst v63  }
0x6d: {  	_ =	swait.ge [sflag:s30], $0x3200  }
0x6e: {  	[sflag:s30] =	ssyncset.done $0x0  }
0x6f: {  	s6 =	sadd.s32 $0xFFFFF380, s2;
	[sflag:s30] =	ssyncadd.s32 $0xFFFFCE00  }
0x70: {  	[hbm4b:s6+s22] =	stream.strided.scatter [tilespmem:s20], [sflag:$0x7], $0x3200, s23, s22, $0x38;
	[tilespmem:$0x12C00] =	vst v63  }
0x71: {  	_ =	swait.ge [sflag:s31], $0x3200  }
0x72: {  	[sflag:s31] =	ssyncset.done $0x0  }
0x73: {  	s6 =	sadd.s32 $0x708, s5;
	[sflag:s31] =	ssyncadd.s32 $0xFFFFCE00  }
0x74: {  	[tilespmem:s18], [sflag:$0x2] =	stream.indirect.gather [hbm4b:s3+s16], $0x40, s6, s16, $0xb8;
	[tilespmem:$0x12C00] =	vst v63  }
0x75: {  	_ =	swait.ge [sflag:s0], $0x3200  }
0x76: {  	[sflag:s0] =	ssyncset.done $0x0  }
.Ltmp0:
0x77: {  	[sflag:s0] =	ssyncadd.s32 $0xFFFFCE00;
	(pc) =	sbr.rel @p0 .LBB2_2-.Ltmp0, $4  }
0x78: {  	[hbm4b:s2+s22] =	stream.strided.scatter [tilespmem:s25], [sflag:$0x8], $0x3200, s23, s22, $0x38;
	[tilespmem:$0x12C00] =	vst v63  }
0x79: {  	_ =	swait.ge [sflag:s19], $0x3200  }
0x7a: {  	[sflag:s19] =	ssyncset.done $0x0  }
0x7b: {  	s5 =	sadd.s32 $0x7D0, s5;
	s2 =	sadd.s32 $0x3200, s2;
	[sflag:s19] =	ssyncadd.s32 $0xFFFFCE00  }
0x7c: {  	[tilespmem:s20], [sflag:$0x3] =	stream.indirect.gather [hbm4b:s3+s16], $0x40, s5, s16, $0xb8;
	[tilespmem:$0x12C00] =	vst v63  }
0x7d: {  	_ =	swait.ge [sflag:s21], $0x3200  }
0x7e: {  	[sflag:s21] =	ssyncset.done $0x0  }
0x7f: {  	[sflag:s21] =	ssyncadd.s32 $0xFFFFCE00  }
0x80: {  	[hbm4b:s9+s22] =	stream.strided.scatter [tilespmem:s17], [sflag:$0x5], $0x3200, s23, s22, $0x38;
	[tilespmem:$0x12C00] =	vst v63  }
0x81: {  	_ =	swait.ge [sflag:s29], $0x3200  }
0x82: {  	[sflag:s29] =	ssyncset.done $0x0  }
0x83: {  	s1 =	simm.s32 $0x6338;
	[sflag:s29] =	ssyncadd.s32 $0xFFFFCE00  }
0x84: {  	[tilespmem:s25], [sflag:$0x4] =	stream.indirect.gather [hbm4b:s3+s16], $0x40, s1, s16, $0xb8;
	[tilespmem:$0x12C00] =	vst v63  }
0x85: {  	_ =	swait.ge [sflag:s26], $0x3200  }
0x86: {  	[sflag:s26] =	ssyncset.done $0x0  }
0x87: {  	[sflag:s26] =	ssyncadd.s32 $0xFFFFCE00  }
0x88: {  	[hbm4b:s10+s22] =	stream.strided.scatter [tilespmem:s18], [sflag:$0x6], $0x3200, s23, s22, $0x38;
	[tilespmem:$0x12C00] =	vst v63  }
0x89: {  	_ =	swait.ge [sflag:s30], $0x3200  }
0x8a: {  	[sflag:s30] =	ssyncset.done $0x0  }
0x8b: {  	[sflag:s30] =	ssyncadd.s32 $0xFFFFCE00  }
0x8c: {  	[hbm4b:s11+s22] =	stream.strided.scatter [tilespmem:s20], [sflag:$0x7], $0x3200, s23, s22, $0x38;
	[tilespmem:$0x12C00] =	vst v63  }
0x8d: {  	_ =	swait.ge [sflag:s0], $0x3200  }
0x8e: {  	[sflag:s0] =	ssyncset.done $0x0  }
0x8f: {  	[sflag:s0] =	ssyncadd.s32 $0xFFFFCE00  }
0x90: {  	[hbm4b:s12+s22] =	stream.strided.scatter [tilespmem:s25], [sflag:$0x8], $0x3200, s23, s22, $0x38;
	[tilespmem:$0x12C00] =	vst v63  }
0x91: {  	_ =	swait.ge [sflag:s28], $0x3200  }
0x92: {  	[sflag:s28] =	ssyncset.done $0x0  }
0x93: {  	[sflag:s28] =	ssyncadd.s32 $0xFFFFCE00  }
0x94: {  	_ =	swait.ge [sflag:s31], $0x3200  }
0x95: {  	[sflag:s31] =	ssyncset.done $0x0  }
0x96: {  	s24 =	sadd.s32 $0x1, s24;
	[sflag:s31] =	ssyncadd.s32 $0xFFFFCE00  }
0x97: {  	p0 =	sne.s32 s24, s13;
	_ =	swait.ge [sflag:s19], $0x3200  }
.Ltmp1:
0x98: {  	[sflag:s19] =	ssyncset.done $0x0;
	(pc) =	sbr.rel @p0 .LBB2_1-.Ltmp1, $4  }
0x99: {  	[sflag:s19] =	ssyncadd.s32 $0xFFFFCE00  }
0x9a: {  	_ =	swait.ge [sflag:s29], $0x3200  }
0x9b: {  	[sflag:s29] =	ssyncset.done $0x0  }
0x9c: {  	[sflag:s29] =	ssyncadd.s32 $0xFFFFCE00  }
0x9d: {  	_ =	sfence.sel $0x180000  }
0x9e: {  	[bflag:$0x0] =	sbarrier.arrive $0xFFFF  }
0x9f: {  	_ =	strace $0x90000047  }
0xa0: {  	s0 =	stileid.u32;
	[bflag:$0x2] =	sbarrier.arrive $0xFFFF  }
0xa1: {  	p0 =	sne.s32 s0, $0x0;
	s0 =	rddreg [dreg:$0x2]  }
0xa2: {  	s0 =	sadd.s32 @!p0 $0x100000, s0  }
0xa3: {  	[sflag:s0] =	ssyncadd.tile.s32 @!p0 $0x1;
	_ =	shalt  }
.Lfunc_end2:
_tile_overlayer_lowered:
.L_overlay_start_2:
0xa4: {  	(tag) =	ssettag $0x2  }
0xa5: {  	s0 =	rddreg [dreg:$0x0];
	s2 =	stileid.u32  }
0xa6: {  	s1 =	rddreg [dreg:$0x1];
	p0 =	sne.s32 s2, $0x0  }
0xa7: {  	s3 =	rddreg [dreg:$0x2];
	[bflag:$0x3] =	sbarrier.arrive $0xFFFF;
	s2 =	simm.s32 @!p0 $0x1C09  }
0xa8: {  	[timem:s3], [sflag:s2] =	dma.local @!p0 [hbm:s0], s1  }
0xa9: {  	s0 =	simm.s32 @!p0 $0x9  }
0xaa: {  	_ =	swait.ge @!p0 [sflag:s0], s1  }
0xab: {  	s1 =	ssub.s32 @!p0 $0x0, s1;
	[sflag:s0] =	ssyncset.done @!p0 $0x0  }
0xac: {  	[sflag:s0] =	ssyncadd.s32 @!p0 s1  }
0xad: {  	[bflag:$0x3] =	sbarrier.arrive $0xFFFF  }
0xae: {  	_ =	shalt  }

// kernel: sparse-core-data-format-call.cloned.1.call-start
scs
called_computation_lowered:
.L_overlay_start_0:
0x0: {  	s2 =	sld [smem:$0x3FD9]  }
0x1: {  	s3 =	sld [smem:$0x3FFE];
	_ =	sdelay $0x1  }
0x2: {  	s1 =	srdreg.scid  }
0x3: {  	s0 =	sand.u32 $0x1, s1  }
0x4: {  	s18 =	sshll.u32 s0, $0xA;
	s2 =	sadd.s32 s3, s2  }
0x5: {  	s2 =	sadd.s32 s2, s18  }
0x6: {  	[smem:$0x3FC6] =	sst s2  }
0x7: {  	_ = 	snop  }
0x8: {  	s2 =	sld [smem:$0x3FD0];
	(tm) =	ssettm $0x1  }
0x9: {  	s19 =	sld [smem:$0x3FFB];
	_ =	sdelay $0x3  }
0xa: {  	_ =	strace s19  }
0xb: {  	s3 =	sld [smem:$0x3FFC];
	_ =	sdelay $0x3  }
0xc: {  	_ =	strace s3  }
0xd: {  	s3 =	sld [smem:$0x3FFD];
	_ =	sdelay $0x3  }
0xe: {  	_ =	strace s3  }
0xf: {  	_ =	strace $0x8FFFFFFF  }
0x10: {  	s20 =	sld [smem:$0x3FDB];
	_ =	sdelay $0x1  }
0x11: {  	s4 =	simm.s32 $_scs_section_size  }
0x12: {  	s5 =	simm.s32 $_size__tile_overlayer_lowered;
	s6 =	simm.s32 $_tile_overlayer_lowered  }
0x13: {  	s23 =	simm.s32 $0x1BFF;
	s22 =	sshll.u32 s6, $0x1;
	s3 =	sadd.s32 s4, s20  }
0x14: {  	s7 =	simm.s32 $0x0;
	s21 =	sshll.u32 s5, $0x1;
	s5 =	sadd.s32 s22, s3  }
0x15: {  	[timem:s7], [sflag:s23] =	dma.local [hbm:s5], s21  }
0x16: {  	_ =	swait.ge [sflag:s23], s21  }
0x17: {  	s4 =	ssub.s32 $0x0, s21;
	[sflag:s23] =	ssyncset.done $0x0  }
0x18: {  	[sflag:s23] =	ssyncadd.s32 s4;
	_ =	sdelay $0x1  }
0x19: {  	s24 =	simm.s32 $0x1B8B  }
0x1a: {  	_ =	swait.ge [sflag:s24], $0x1  }
0x1b: {  	[sflag:s24] =	ssyncset.done $0x0  }
0x1c: {  	s26 =	simm.s32 $0x1B8E;
	s25 =	sld [smem:$0x3FFE];
	[sflag:s24] =	ssyncadd.s32 $0xFFFFFFFF  }
0x1d: {  	s27 =	simm.s32 $execute0_lowered;
	[smem:$0x3FD2] =	sst s26  }
0x1e: {  	s5 =	sshll.u32 s27, $0x1;
	_ =	strace $0x80000049;
	[dreg:$0x1] =	wrdreg $0xFFFFFFFF  }
0x1f: {  	s28 =	simm.s32 $_size_execute0_lowered;
	s3 =	sadd.s32 s3, s5;
	[dreg:$0x0] =	wrdreg $0x0  }
0x20: {  	s5 =	sshll.u32 s28, $0x1;
	[dreg:$0x2] =	wrdreg s3  }
0x21: {  	[dreg:$0x3] =	wrdreg s5  }
0x22: {  	[dreg:$0x4] =	wrdreg $0xC0  }
0x23: {  	_ =	task [dreg:s7], $0x5FFFF  }
0x24: {  	[dreg:$0x1] =	wrdreg $0xFFFFFFFF  }
0x25: {  	[dreg:$0x0] =	wrdreg $0x60  }
0x26: {  	[dreg:$0x2] =	wrdreg s25  }
0x27: {  	[dreg:$0x3] =	wrdreg s2  }
0x28: {  	[dreg:$0x4] =	wrdreg $0x9  }
0x29: {  	_ =	task.clear_ibuf [dreg:s7], $0x5FFFF;
	_ =	strace $0x90000049  }
0x2a: {  	s29 =	simm.s32 $0x9;
	_ =	strace $0x8000004B  }
0x2b: {  	_ =	swait.ge [sflag:s29], $0x1  }
0x2c: {  	[sflag:s29] =	ssyncadd.s32 $0xFFFFFFFF  }
0x2d: {  	_ =	strace $0x9000004B  }
0x2e: {  	_ =	sfence  }
0x2f: {  	s30 =	sld [smem:$0x0];
	_ =	sdelay $0x2  }
0x30: {  	s31 =	sshll.u32 s1, $0xD;
	s1 =	sshrl.u32 s1, $0x2  }
0x31: {  	s3 =	sand.u32 $0x4000, s31;
	s1 =	sadd.s32 s1, s30  }
0x32: {  	s0 =	sor.u32 s3, s0;
	s1 =	sshll.u32 s1, $0x11  }
0x33: {  	s0 =	sor.u32 s1, s0  }
0x34: {  	s0 =	sadd.s32 $0x8F2B, s0  }
0x35: {  	[sflag:s0] =	ssyncadd.remote.s32 $0x1  }
0x36: {  	_ =	sfence.sel $0xFFFF  }
0x37: {  	[dreg:$0x0] =	wrdreg $0xFFFFFFFF;
	(pc) =	sbr.abs _section_cstart, $3  }
0x38: {  	[dreg:$0x1] =	wrdreg $0xFFFFFFFF  }
0x39: {  	_ =	task.clear_ibuf [dreg:s7], $0x2FFFF;
	_ =	strace $0x9FFFFFFF  }
0x3a: {  	(tm) =	ssettm $0x7FFFFFFF  }
0x3b: {  	_ =	shalt  }
tec
execute0_lowered:
.L_overlay_start_1:
0x0: {  	(tag) =	ssettag $0x1  }
0x1: {  	s0 =	srdreg.scid  }
0x2: {  	s1 =	sshll.u32 s0, $0x4  }
0x3: {  	s0 =	stileid.u32;
	s1 =	sand.u32 $0x10, s1  }
0x4: {  	s1 =	sor.u32 s0, s1  }
0x5: {  	s6 =	rddreg [dreg:$0x0];
	s4 =	simm.s32 $0x1;
	s2 =	sshll.u32 s1, $0x7  }
0x6: {  	s7 =	simm.s32 $0x2;
	s12 =	simm.s32 $0x0;
	s1 =	ssub.s32 $0x1000, s2  }
0x7: {  	s8 =	simm.s32 $0x8000;
	s13 =	simm.s32 $0x0;
	s3 =	sand.u32 $0xF80, s1  }
0x8: {  	s9 =	simm.s32 $0x0;
	s5 =	sshrl.u32 s1, $0xC;
	p0 =	sne.s32 s3, $0x0  }
.Ltmp0:
0x9: {  	s1 =	rddreg [dreg:$0x2];
	s4 =	simm.s32 @!p0 $0x0;
	(pc) =	sbr.rel .LBB1_1-.Ltmp0, $4  }
0xa: {  	s11 =	simm.s32 $0x0;
	s3 =	rddreg [dreg:$0x1];
	s5 =	sadd.s32 s4, s5  }
0xb: {  	_ =	strace $0x8000004A;
	s4 =	simm.s32 $0x1;
	s5 =	smul.u32 $0xC8, s5  }
0xc: {  	s6 =	sadd.s32 $0xA00, s6;
	s10 =	smov.u32 s2;
	[sflag:s4] =	ssyncpa.u1 $0x0  }
0xd: {  	p0 =	por $0x0, $0x0;
	[sflag:s7] =	ssyncpa.u1 $0x0;
	s7 =	sor.u32 $0x1, s5  }
.LBB1_4:
0xe: {  	s16 =	sshll.u32 s13, $0x3;
	s17 =	sand.u32 $0x78, s13  }
0xf: {  	s30 =	sand.u32 $0x7E00, s13;
	s12 =	sshll.u32 s12, $0xF;
	s16 =	sand.u32 $0xC00, s16  }
0x10: {  	[tilespmem:s15+$0x810 ss:$0x81] =	vst.msk $0xffff, v2;
	s31 =	sand.u32 $0x7, s13;
	s16 =	sor.u32 s17, s16;
	s17 =	sadd.s32 s3, s30  }
0x11: {  	[tilespmem:s15+$0x1020 ss:$0x81] =	vst.msk $0xffff, v0;
	s13 =	sshll.u32 s31, $0x12;
	s12 =	sadd.s32 s12, s17;
	s16 =	sshrl.u32 s16, $0x3  }
0x12: {  	[tilespmem:s15+$0x0 ss:$0x81] =	vst.msk $0xffff, v1;
	s13 =	sor.u32 $0x400, s13;
	s12 =	sadd.s32 s16, s12  }
0x13: {  	[hbm4b:s12+s13] =	stream.strided.scatter [tilespmem:s14], [sflag:$0x2], $0x2000, s8, s13, $0x20;
	[tilespmem:$0x8080] =	vst v63  }
.LBB1_5:
0x14: {  	s14 =	sadd.s32 $0x1, s9  }
0x15: {  	s12 =	sadd.s32 $0x1000, s10;
	s16 =	smov.u32 s10;
	p2 =	sgt.s32 s14, $0xC7  }
0x16: {  	s16 =	smov.u32 @p2 s12  }
0x17: {  	s14 =	simm.s32 @p2 $0x0;
	p2 =	sgt.s32 s16, $0xFFF  }
0x18: {  	s16 =	smov.u32 @p2 s2;
	p2 =	sne.s32 s11, s7  }
.Ltmp1:
0x19: {  	p1 =	slt.u32 s11, $0x2;
	(pc) =	sbr.rel @!p2 .LBB1_6-.Ltmp1, $4  }
0x1a: {  	s15 =	simm.s32 @!p1 $0x2  }
0x1b: {  	s13 =	smov.u32 s10;
	p0 =	por !p0, !p0;
	_ =	swait.ge @!p1 [sflag:s15], $0x2000  }
0x1c: {  	s12 =	smov.u32 s9;
	[sflag:s15] =	ssyncset.done @!p1 $0x0;
	s9 =	smov.u32 s14  }
0x1d: {  	s11 =	sadd.s32 $0x1, s11;
	[sflag:s15] =	ssyncadd.s32 @!p1 $0xFFFFE000;
	s10 =	smov.u32 s16  }
.LBB1_1:
0x1e: {  	p1 =	sge.u32 s11, s5  }
0x1f: {  	s14 =	sand.u32 @!p1 $0x1FFFFFF, s9  }
0x20: {  	s15 =	smulhi.u32 @!p1 $0x147AE15, s14;
	_ =	sdelay $0x1  }
0x21: {  	s15 =	smul.u32 @!p1 $0xC8, s15  }
0x22: {  	s16 =	sxor.u32 @!p1 $0xFFFFFFFF, s11;
	s17 =	smul.u32 @!p1 $0xC80, s10  }
0x23: {  	s31 =	sadd.s32 $0xFFFFFFFF, s11;
	s16 =	sshll.u32 @!p1 s16, $0xD;
	s14 =	ssub.s32 @!p1 s14, s15  }
0x24: {  	s15 =	sand.u32 @!p1 $0x2000, s16;
	s16 =	sadd.s32 @!p1 s6, s17;
	s14 =	sshll.u32 @!p1 s14, $0x4  }
0x25: {  	s17 =	simm.s32 @!p1 $0x6400;
	s14 =	sadd.s32 @!p1 s14, s16;
	s16 =	simm.s32 @!p1 $0x40  }
0x26: {  	[tilespmem:s15], [sflag:$0x1] =	stream.strided.gather @!p1 [hbm4b:s14+s16], $0x2000, s17, s16, $0x38;
	[tilespmem:$0x8080] =	vst v63  }
0x27: {  	p1 =	sge.u32 s31, s5  }
.Ltmp2:
0x28: {  	_ = 	snop;
	(pc) =	sbr.rel @p1 .LBB1_5-.Ltmp2, $1  }
0x29: {  	_ =	sdelay $0x3  }
0x2a: {  	s14 =	simm.s32 $0x1  }
0x2b: {  	_ =	swait.ge [sflag:s4], $0x2000;
	s14 =	simm.s32 @!p0 $0x0  }
0x2c: {  	[sflag:s4] =	ssyncset.done $0x0;
	s15 =	sshll.u32 s14, $0xD  }
0x2d: {  	[sflag:s4] =	ssyncadd.s32 $0xFFFFE000;
	s18 =	sor.u32 $0x20, s15  }
0x2e: {  	s14 =	smul.u32 $0x8100, s14;
	v3 =	vld [tilespmem:s18+$0x10]  }
0x2f: {  	s30 =	sand.u32 $0x1, s11;
	v2 =	vld [tilespmem:s18+$0xFFFFFFF0]  }
0x30: {  	s15 =	smul.u32 $0x8100, s30;
	s14 =	sshrl.u32 s14, $0x2;
	v0 =	vld [tilespmem:s18+$0x0]  }
0x31: {  	v1 =	vld [tilespmem:s18+$0xFFFFFFE0];
	s16 =	sor.u32 $0x4000, s14  }
0x32: {  	s31 =	sshrl.u32 s15, $0x2;
	s15 =	sadd.s32 $0x0, s16  }
0x33: {  	s17 =	simm.s32 $0x4;
	s18 =	sadd.s32 $0x40, s18;
	s14 =	sor.u32 $0x4000, s31;
	[tilespmem:s15+$0x1830 ss:$0x81] =	vst.msk $0xffff, v3  }
.LBB1_3:
0x34: {  	v3 =	vld [tilespmem:s18+$0x10];
	p1 =	sne.s32 s17, $0x1FC;
	[tilespmem:s15+$0x810 ss:$0x81] =	vst.msk $0xffff, v2;
	s19 =	smov.u32 s17;
	s17 =	sadd.s32 $0x4, s17  }
.Ltmp3:
0x35: {  	v2 =	vld [tilespmem:s18+$0xFFFFFFF0];
	[tilespmem:s15+$0x1020 ss:$0x81] =	vst.msk $0xffff, v0;
	(pc) =	sbr.rel @p1 .LBB1_3-.Ltmp3, $4  }
0x36: {  	v0 =	vld [tilespmem:s18+$0x0];
	[tilespmem:s15+$0x0 ss:$0x81] =	vst.msk $0xffff, v1  }
0x37: {  	s15 =	sshra.s32 s19, $0x2;
	v1 =	vld [tilespmem:s18+$0xFFFFFFE0]  }
0x38: {  	s15 =	sadd.s32 s15, s16  }
0x39: {  	s18 =	sadd.s32 $0x40, s18;
	[tilespmem:s15+$0x1830 ss:$0x81] =	vst.msk $0xffff, v3  }
.Ltmp4:
0x3a: {  	_ = 	snop;
	(pc) =	sbr.rel .LBB1_4-.Ltmp4, $1  }
0x3b: {  	_ =	sdelay $0x3  }
.LBB1_6:
0x3c: {  	_ =	sfence.sel $0x180000  }
0x3d: {  	s2 =	simm.s32 $0x1;
	[bflag:$0x0] =	sbarrier.arrive $0xFFFF  }
0x3e: {  	s31 =	simm.s32 $0x2;
	[sflag:s2] =	ssyncpa.u1 $0x1  }
0x3f: {  	[sflag:s31] =	ssyncpa.u1 $0x1  }
0x40: {  	p0 =	sne.s32 s0, $0x0;
	_ =	strace $0x9000004A  }
0x41: {  	s0 =	sadd.s32 @!p0 $0x100000, s1;
	[bflag:$0x2] =	sbarrier.arrive $0xFFFF  }
0x42: {  	[sflag:s0] =	ssyncadd.tile.s32 @!p0 $0x1;
	_ =	shalt  }
.Lfunc_end1:
_tile_overlayer_lowered:
.L_overlay_start_2:
0x43: {  	(tag) =	ssettag $0x2  }
0x44: {  	s0 =	rddreg [dreg:$0x0];
	s2 =	stileid.u32  }
0x45: {  	s1 =	rddreg [dreg:$0x1];
	p0 =	sne.s32 s2, $0x0  }
0x46: {  	s3 =	rddreg [dreg:$0x2];
	[bflag:$0x3] =	sbarrier.arrive $0xFFFF;
	s2 =	simm.s32 @!p0 $0x1C01  }
0x47: {  	[timem:s3], [sflag:s2] =	dma.local @!p0 [hbm:s0], s1  }
0x48: {  	s0 =	simm.s32 @!p0 $0x1  }
0x49: {  	_ =	swait.ge @!p0 [sflag:s0], s1  }
0x4a: {  	s1 =	ssub.s32 @!p0 $0x0, s1;
	[sflag:s0] =	ssyncset.done @!p0 $0x0  }
0x4b: {  	[sflag:s0] =	ssyncadd.s32 @!p0 s1  }
0x4c: {  	[bflag:$0x3] =	sbarrier.arrive $0xFFFF  }
0x4d: {  	_ =	shalt  }

</sc_bundles>
